<compile_context>
chip_gen: v7x
topology: tpu7x:2x2x1
jax: 0.10.2.dev20260603
libtpu: 0.0.44.dev20260713+nightly
codegen_flags: <defaults>
</compile_context>

<pallas_src>
import functools

import jax
import jax.numpy as jnp
from jax import lax
from jax.experimental import pallas as pl
from jax.experimental.pallas import tpu as pltpu
from jax.experimental.pallas import tpu_sc as plsc

NC = 2
NS = 16
NW = NC * NS
K = 128

_MESH = plsc.VectorSubcoreMesh(core_axis_name="c", subcore_axis_name="s")


def _deg_body(np_, ch, dst_hbm, ones_hbm, zeros_hbm, out_hbm,
              didx, ones_v, acc_sh, sem):
    c = lax.axis_index("c")
    s = lax.axis_index("s")
    w = c * NS + s
    rows = np_ // NS

    pltpu.sync_copy(ones_hbm, ones_v)
    pltpu.sync_copy(zeros_hbm, acc_sh.at[pl.ds(s * rows, rows)])
    plsc.subcore_barrier()

    def chunk(j, carry):
        pltpu.sync_copy(dst_hbm.at[w, j], didx)
        pltpu.sync_copy(ones_v, acc_sh.at[didx], add=True)
        return carry

    lax.fori_loop(0, ch, chunk, 0)
    plsc.subcore_barrier()
    pltpu.sync_copy(acc_sh.at[pl.ds(s * rows, rows)],
                    out_hbm.at[c, pl.ds(s * rows, rows)])


def _make_deg_kernel(np_, ch):
    return functools.partial(
        pl.kernel,
        out_type=jax.ShapeDtypeStruct((NC, np_, 16), jnp.float32),
        mesh=_MESH,
        scratch_types=[
            pltpu.VMEM((K,), jnp.int32),
            pltpu.VMEM((K, 16), jnp.float32),
            pltpu.VMEM_SHARED((np_, 16), jnp.float32),
            pltpu.SemaphoreType.DMA,
        ],
        compiler_params=pltpu.CompilerParams(use_tc_tiling_on_sc=False),
    )(functools.partial(_deg_body, np_, ch))


def _agg_body(np_, ch, dw, g_hbm, src_hbm, dst_hbm, zeros_hbm, out_hbm,
              sidx0, sidx1, didx0, msg0, msg1, acc_sh, gsem0, gsem1):
    c = lax.axis_index("c")
    s = lax.axis_index("s")
    w = c * NS + s
    rows = np_ // NS

    for r in range(rows // K):
        pltpu.sync_copy(zeros_hbm,
                        acc_sh.at[pl.ds(s * rows + r * K, K)])
    plsc.subcore_barrier()

    pltpu.sync_copy(src_hbm.at[w, 0], sidx0)
    pltpu.async_copy(g_hbm.at[sidx0], msg0, gsem0)

    def chunk(j, carry):
        def do(sidx_n, msg_n, gsem_n, sidx_c, msg_c, gsem_c):
            @pl.when(j + 1 < ch)
            def _():
                pltpu.sync_copy(src_hbm.at[w, j + 1], sidx_n)
                pltpu.async_copy(g_hbm.at[sidx_n], msg_n, gsem_n)
            pltpu.make_async_copy(g_hbm.at[sidx_c], msg_c, gsem_c).wait()
            pltpu.sync_copy(dst_hbm.at[w, j], didx0)
            pltpu.sync_copy(msg_c, acc_sh.at[didx0], add=True)

        @pl.when(j % 2 == 0)
        def _():
            do(sidx1, msg1, gsem1, sidx0, msg0, gsem0)

        @pl.when(j % 2 == 1)
        def _():
            do(sidx0, msg0, gsem0, sidx1, msg1, gsem1)

        return carry

    lax.fori_loop(0, ch, chunk, 0)
    plsc.subcore_barrier()
    pltpu.sync_copy(acc_sh.at[pl.ds(s * rows, rows)],
                    out_hbm.at[c, pl.ds(s * rows, rows)])


def _make_agg_kernel(np_, ch, dw):
    return functools.partial(
        pl.kernel,
        out_type=jax.ShapeDtypeStruct((NC, np_, dw), jnp.float32),
        mesh=_MESH,
        scratch_types=[
            pltpu.VMEM((K,), jnp.int32),
            pltpu.VMEM((K,), jnp.int32),
            pltpu.VMEM((K,), jnp.int32),
            pltpu.VMEM((K, dw), jnp.float32),
            pltpu.VMEM((K, dw), jnp.float32),
            pltpu.VMEM_SHARED((np_, dw), jnp.float32),
            pltpu.SemaphoreType.DMA,
            pltpu.SemaphoreType.DMA,
        ],
        compiler_params=pltpu.CompilerParams(use_tc_tiling_on_sc=False),
    )(functools.partial(_agg_body, np_, ch, dw))


def _elu(v):
    return jnp.where(v > 0, v, jnp.exp(v) - 1.0)


def _mm1_body(x_ref, w_ref, d0_ref, d1_ref, g_ref):
    dinv = lax.rsqrt(d0_ref[...] + d1_ref[...] + 1.0)
    g_ref[...] = dinv * jnp.dot(x_ref[...], w_ref[...],
                                preferred_element_type=jnp.float32)


def _mm2_body(a0_ref, a1_ref, g1_ref, w_ref, d0_ref, d1_ref, g2_ref):
    dinv = lax.rsqrt(d0_ref[...] + d1_ref[...] + 1.0)
    h1 = _elu(dinv * (a0_ref[...] + a1_ref[...] + g1_ref[...]))
    g2_ref[...] = dinv * jnp.dot(h1, w_ref[...],
                                 preferred_element_type=jnp.float32)


def _final_body(nblk, a0_ref, a1_ref, g2_ref, d0_ref, d1_ref,
                bv_ref, lo_ref, hi_ref, l1w_ref, l1b_ref, l2w_ref, l2b_ref,
                out_ref, h2_ref, pool_ref):
    B = 512

    def h2_blk(b, carry):
        rs = pl.ds(b * B, B)
        dinv = lax.rsqrt(d0_ref[rs, :] + d1_ref[rs, :] + 1.0)
        h2_ref[rs, :] = _elu(dinv * (a0_ref[rs, :] + a1_ref[rs, :]
                                     + g2_ref[rs, :]))
        return carry

    lax.fori_loop(0, nblk, h2_blk, 0)

    pool_ref[...] = jnp.full((64, 128), -jnp.inf, dtype=jnp.float32)

    def seg_blk(b, carry):
        rs = pl.ds(b * B, B)
        bb = bv_ref[rs, :]
        hb = h2_ref[rs, :]
        glo = lo_ref[0, b]
        ghi = jnp.minimum(hi_ref[0, b], 63)

        def one_g(g, carry2):
            m = jnp.max(jnp.where(bb == g, hb, -jnp.inf), axis=0,
                        keepdims=True)
            pool_ref[pl.ds(g, 1), :] = jnp.maximum(pool_ref[pl.ds(g, 1), :], m)
            return carry2

        lax.fori_loop(glo, ghi + 1, one_g, 0)
        return carry

    lax.fori_loop(0, nblk, seg_blk, 0)

    p = _elu(pool_ref[...])
    h = _elu(jnp.dot(p, l1w_ref[...], preferred_element_type=jnp.float32)
             + l1b_ref[...])
    o = jnp.dot(h, l2w_ref[...], preferred_element_type=jnp.float32) \
        + l2b_ref[...]
    out_ref[...] = 1.0 / (1.0 + jnp.exp(-o))


def kernel(x, edge_index, batch, W1, W2, L1_w, L1_b, L2_w, L2_b):
    n = x.shape[0]
    e = edge_index.shape[1]
    d = x.shape[1]

    BLK = 512
    np_ = -(-n // 2048) * 2048
    nblk = np_ // BLK
    ch = -(-e // (NW * K))
    ep = NW * K * ch
    sink = n

    src = jnp.concatenate(
        [edge_index[0], jnp.zeros((ep - e,), jnp.int32)]).reshape(NW, ch, K)
    dst = jnp.concatenate(
        [edge_index[1], jnp.full((ep - e,), sink, jnp.int32)]).reshape(NW, ch, K)

    xp = jnp.pad(x, ((0, np_ - n), (0, 0)))
    batch_p = jnp.pad(batch, (0, np_ - n), constant_values=64)[:, None]
    blk_lo = batch_p[0::BLK, 0][None, :]
    blk_hi = batch_p[BLK - 1::BLK, 0][None, :]

    ones16 = jnp.ones((K, 16), jnp.float32)
    zeros16 = jnp.zeros((np_ // NS, 16), jnp.float32)
    zeros_d = jnp.zeros((K, d), jnp.float32)

    deg16 = _make_deg_kernel(np_, ch)(dst, ones16, zeros16)
    d0 = deg16[0, :, :1]
    d1 = deg16[1, :, :1]

    row_spec = pl.BlockSpec((BLK, d), lambda i: (i, 0))
    w_spec = pl.BlockSpec((d, d), lambda i: (0, 0))
    deg_spec = pl.BlockSpec((BLK, 1), lambda i: (i, 0))
    g1 = pl.pallas_call(
        _mm1_body,
        grid=(nblk,),
        in_specs=[row_spec, w_spec, deg_spec, deg_spec],
        out_specs=row_spec,
        out_shape=jax.ShapeDtypeStruct((np_, d), jnp.float32),
    )(xp, W1, d0, d1)

    agg = _make_agg_kernel(np_, ch, d)
    agg1 = agg(g1, src, dst, zeros_d)

    g2 = pl.pallas_call(
        _mm2_body,
        grid=(nblk,),
        in_specs=[row_spec, row_spec, row_spec, w_spec, deg_spec, deg_spec],
        out_specs=row_spec,
        out_shape=jax.ShapeDtypeStruct((np_, d), jnp.float32),
    )(agg1[0], agg1[1], g1, W2, d0, d1)

    agg2 = agg(g2, src, dst, zeros_d)

    full = lambda shp: pl.BlockSpec(shp, lambda: (0,) * len(shp))
    out = pl.pallas_call(
        functools.partial(_final_body, nblk),
        in_specs=[full((np_, d)), full((np_, d)), full((np_, d)),
                  full((np_, 1)), full((np_, 1)),
                  full((np_, 1)),
                  pl.BlockSpec(memory_space=pltpu.SMEM),
                  pl.BlockSpec(memory_space=pltpu.SMEM),
                  full((d, 64)), full((1, 64)), full((64, 1)), full((1, 1))],
        out_specs=full((64, 1)),
        out_shape=jax.ShapeDtypeStruct((64, 1), jnp.float32),
        scratch_shapes=[pltpu.VMEM((np_, d), jnp.float32),
                        pltpu.VMEM((64, 128), jnp.float32)],
    )(agg2[0], agg2[1], g2, d0, d1, batch_p, blk_lo, blk_hi,
      L1_w, L1_b[None, :], L2_w, L2_b[None, :])

    return out

# --- scband reference (transcript-rebuilt; emitter-appended) ---
"""Pipeline reference for scband-gnn-34248069218823 (READ-ONLY COPY).

The authoritative reference and input builder live on the scoring server;
editing this copy changes nothing except your own understanding.
"""

import jax, jax.numpy as jnp
import numpy as np

N_NODES = 10000
N_EDGES = 320000
D_FEAT = 128
N_GRAPHS = 64


def setup_inputs(seed: int = 0) -> dict:
    key = jax.random.key(seed)
    ks = jax.random.split(key, 10)
    x = jax.random.normal(ks[0], (N_NODES, D_FEAT), dtype=jnp.float32)
    edge_index = jax.random.randint(ks[1], (2, N_EDGES), 0, N_NODES, dtype=jnp.int64 if jax.config.jax_enable_x64 else jnp.int32).astype(jnp.int32)
    batch = jnp.sort(jax.random.randint(ks[2], (N_NODES,), 0, N_GRAPHS)).astype(jnp.int32)
    # GCNConv weights (bias=False), Conv_Widths=[128,128,128]
    W1 = jax.random.normal(ks[3], (128, 128), dtype=jnp.float32) * (1.0 / np.sqrt(128))
    W2 = jax.random.normal(ks[4], (128, 128), dtype=jnp.float32) * (1.0 / np.sqrt(128))
    # Linear layers, Linear_Widths=[128,64,1], xavier-uniform weight, zero bias
    lim1 = float(np.sqrt(6.0 / (128 + 64)))
    L1_w = jax.random.uniform(ks[5], (128, 64), minval=-lim1, maxval=lim1, dtype=jnp.float32)
    L1_b = jnp.zeros((64,), dtype=jnp.float32)
    lim2 = float(np.sqrt(6.0 / (64 + 1)))
    L2_w = jax.random.uniform(ks[6], (64, 1), minval=-lim2, maxval=lim2, dtype=jnp.float32)
    L2_b = jnp.zeros((1,), dtype=jnp.float32)
    return {"x": x, "edge_index": edge_index, "batch": batch, "W1": W1, "W2": W2,
            "L1_w": L1_w, "L1_b": L1_b, "L2_w": L2_w, "L2_b": L2_b}


def _gcn_conv(h, W, src, dst, n_nodes):
    # PyG GCNConv (bias=False): h' = D^{-1/2} (A+I) D^{-1/2} (h @ W)
    h = h @ W
    deg = jnp.zeros((n_nodes,), dtype=h.dtype).at[dst].add(1.0)
    dinv = jnp.where(deg > 0, jax.lax.rsqrt(jnp.maximum(deg, 1e-12)), 0.0)
    norm = dinv[src] * dinv[dst]
    msg = h[src] * norm[:, None]
    out = jnp.zeros((n_nodes, h.shape[1]), dtype=h.dtype).at[dst].add(msg)
    return out


def reference(x, edge_index, batch, W1, W2, L1_w, L1_b, L2_w, L2_b):
    n_nodes = x.shape[0]
    loop = jnp.arange(n_nodes, dtype=edge_index.dtype)
    src = jnp.concatenate([edge_index[0], loop])
    dst = jnp.concatenate([edge_index[1], loop])
    h = jax.nn.elu(_gcn_conv(x, W1, src, dst, n_nodes))
    h = jax.nn.elu(_gcn_conv(h, W2, src, dst, n_nodes))
    pooled = jax.ops.segment_max(h, batch, num_segments=N_GRAPHS)
    pooled = jax.nn.elu(pooled)
    h = jax.nn.elu(pooled @ L1_w + L1_b)
    out = jax.nn.sigmoid(h @ L2_w + L2_b)
    return out

if __name__ == "__main__":
    import jax
    _d = setup_inputs()
    print(jax.jit(kernel)(*tuple(_d.values())))

</pallas_src>

<mosaic_0001>
#map = affine_map<(d0, d1) -> (0, 0, 0)>
#map1 = affine_map<(d0, d1) -> (0, 0)>
module attributes {stable_mosaic.version = 14 : i64} {
  func.func @_deg_body(%arg0: i32, %arg1: i32, %arg2: memref<32x79x128xi32, #tpu.memory_space<hbm>>, %arg3: memref<128x16xf32, #tpu.memory_space<hbm>>, %arg4: memref<640x16xf32, #tpu.memory_space<hbm>>, %arg5: memref<2x10240x16xf32, #tpu.memory_space<hbm>>, %arg6: memref<128xi32, #tpu.memory_space<vmem>>, %arg7: memref<128x16xf32, #tpu.memory_space<vmem>>, %arg8: memref<10240x16xf32, #tpu.memory_space<vmem_shared>>, %arg9: memref<!tpu.dma_semaphore, #tpu.memory_space<semaphore_mem>>) attributes {dimension_semantics = [#tpu.dimension_semantics<core_parallel>, #tpu.dimension_semantics<subcore_parallel>], iteration_bounds = array<i64: 2, 16>, scalar_prefetch = 0 : i64, scratch_operands = 4 : i64, tpu.core_type = #tpu.core_type<sc_vector_subcore>, window_params = [{transform_indices = #map}, {transform_indices = #map1}, {transform_indices = #map1}, {transform_indices = #map}]} {
    %mul3A = arith.constant 16 : i32
    %mul3A_0 = arith.muli %arg0, %mul3A : i32
    %add3A = arith.addi %mul3A_0, %arg1 : i32
    "tpu.region"() ({
      %run_scoped3A = tpu.sem_alloc : memref<!tpu.dma_semaphore, #tpu.memory_space<semaphore_mem>>
      tpu.enqueue_dma source(%arg3 : memref<128x16xf32, #tpu.memory_space<hbm>>) target(%arg7 : memref<128x16xf32, #tpu.memory_space<vmem>>) target_semaphore(%run_scoped3A : memref<!tpu.dma_semaphore, #tpu.memory_space<semaphore_mem>>)
      tpu.wait_dma2 semaphore(%run_scoped3A : memref<!tpu.dma_semaphore, #tpu.memory_space<semaphore_mem>>) src(%arg3 : memref<128x16xf32, #tpu.memory_space<hbm>>) dst(%arg7 : memref<128x16xf32, #tpu.memory_space<vmem>>)
      tpu.yield
    }) : () -> ()
    %mul3A_1 = arith.constant 640 : i32
    %mul3A_2 = arith.muli %arg1, %mul3A_1 : i32
    "tpu.region"() ({
      %run_scoped3A = tpu.sem_alloc : memref<!tpu.dma_semaphore, #tpu.memory_space<semaphore_mem>>
      %dma_start3A = arith.constant 0 : i32
      %dma_start3A_13 = tpu.memref_slice %arg8[%mul3A_2, %dma_start3A] : memref<10240x16xf32, #tpu.memory_space<vmem_shared>> -> memref<640x16xf32, #tpu.memory_space<vmem_shared>>
      tpu.enqueue_dma source(%arg4 : memref<640x16xf32, #tpu.memory_space<hbm>>) target(%dma_start3A_13 : memref<640x16xf32, #tpu.memory_space<vmem_shared>>) target_semaphore(%run_scoped3A : memref<!tpu.dma_semaphore, #tpu.memory_space<semaphore_mem>>)
      %dma_wait3A = arith.constant 0 : i32
      %dma_wait3A_14 = tpu.memref_slice %arg8[%mul3A_2, %dma_wait3A] : memref<10240x16xf32, #tpu.memory_space<vmem_shared>> -> memref<640x16xf32, #tpu.memory_space<vmem_shared>>
      tpu.wait_dma2 semaphore(%run_scoped3A : memref<!tpu.dma_semaphore, #tpu.memory_space<semaphore_mem>>) src(%arg4 : memref<640x16xf32, #tpu.memory_space<hbm>>) dst(%dma_wait3A_14 : memref<640x16xf32, #tpu.memory_space<vmem_shared>>)
      tpu.yield
    }) : () -> ()
    %barrier3A = arith.constant 0 : index
    tpu.barrier barrier_id(%barrier3A)
    %scan3A = arith.constant 0 : i32
    %scan3A_3 = arith.constant 0 : i32
    %scan3A_4 = arith.constant 79 : i32
    %scan3A_5 = arith.addi %scan3A_3, %scan3A_4 : i32
    %scan3A_6 = arith.constant 1 : i32
    scf.for %scan3A_13 = %scan3A_3 to %scan3A_5 step %scan3A_6  : i32 {
      "tpu.region"() ({
        %run_scoped3A = tpu.sem_alloc : memref<!tpu.dma_semaphore, #tpu.memory_space<semaphore_mem>>
        %dma_start3A = arith.constant 0 : i32
        %dma_start3A_14 = tpu.memref_slice %arg2[%add3A, %scan3A_13, %dma_start3A] : memref<32x79x128xi32, #tpu.memory_space<hbm>> -> memref<1x1x128xi32, #tpu.memory_space<hbm>>
        %dma_start3A_15 = tpu.memref_squeeze %dma_start3A_14 : memref<1x1x128xi32, #tpu.memory_space<hbm>> -> memref<128xi32, #tpu.memory_space<hbm>>
        %dma_start3A_16 = arith.constant 0 : i32
        %dma_start3A_17 = tpu.memref_slice %arg2[%add3A, %scan3A_13, %dma_start3A_16] : memref<32x79x128xi32, #tpu.memory_space<hbm>> -> memref<1x1x128xi32, #tpu.memory_space<hbm>>
        %dma_start3A_18 = tpu.memref_squeeze %dma_start3A_17 : memref<1x1x128xi32, #tpu.memory_space<hbm>> -> memref<128xi32, #tpu.memory_space<hbm>>
        tpu.enqueue_dma source(%dma_start3A_18 : memref<128xi32, #tpu.memory_space<hbm>>) target(%arg6 : memref<128xi32, #tpu.memory_space<vmem>>) target_semaphore(%run_scoped3A : memref<!tpu.dma_semaphore, #tpu.memory_space<semaphore_mem>>)
        %dma_wait3A = arith.constant 0 : i32
        %dma_wait3A_19 = tpu.memref_slice %arg2[%add3A, %scan3A_13, %dma_wait3A] : memref<32x79x128xi32, #tpu.memory_space<hbm>> -> memref<1x1x128xi32, #tpu.memory_space<hbm>>
        %dma_wait3A_20 = tpu.memref_squeeze %dma_wait3A_19 : memref<1x1x128xi32, #tpu.memory_space<hbm>> -> memref<128xi32, #tpu.memory_space<hbm>>
        %dma_wait3A_21 = arith.constant 0 : i32
        %dma_wait3A_22 = tpu.memref_slice %arg2[%add3A, %scan3A_13, %dma_wait3A_21] : memref<32x79x128xi32, #tpu.memory_space<hbm>> -> memref<1x1x128xi32, #tpu.memory_space<hbm>>
        %dma_wait3A_23 = tpu.memref_squeeze %dma_wait3A_22 : memref<1x1x128xi32, #tpu.memory_space<hbm>> -> memref<128xi32, #tpu.memory_space<hbm>>
        tpu.wait_dma2 semaphore(%run_scoped3A : memref<!tpu.dma_semaphore, #tpu.memory_space<semaphore_mem>>) src(%dma_wait3A_23 : memref<128xi32, #tpu.memory_space<hbm>>) dst(%arg6 : memref<128xi32, #tpu.memory_space<vmem>>)
        tpu.yield
      }) : () -> ()
      "tpu.region"() ({
        %run_scoped3A = tpu.sem_alloc : memref<!tpu.dma_semaphore, #tpu.memory_space<semaphore_mem>>
        %dma_start3A = arith.constant 0 : i32
        %dma_start3A_14 = arith.constant 0 : i32
        %dma_start3A_15 = tpu.memref_slice %arg8[%dma_start3A, %dma_start3A_14] : memref<10240x16xf32, #tpu.memory_space<vmem_shared>> -> memref<10240x16xf32, #tpu.memory_space<vmem_shared>>
        tpu.enqueue_indirect_dma source(%arg7 : memref<128x16xf32, #tpu.memory_space<vmem>>) target(%dma_start3A_15 : memref<10240x16xf32, #tpu.memory_space<vmem_shared>>) offsets(%arg6 : memref<128xi32, #tpu.memory_space<vmem>>) semaphore(%run_scoped3A : memref<!tpu.dma_semaphore, #tpu.memory_space<semaphore_mem>>) {add = true}
        %dma_wait3A = arith.constant 0 : i32
        %dma_wait3A_16 = arith.constant 0 : i32
        %dma_wait3A_17 = tpu.memref_slice %arg8[%dma_wait3A, %dma_wait3A_16] : memref<10240x16xf32, #tpu.memory_space<vmem_shared>> -> memref<10240x16xf32, #tpu.memory_space<vmem_shared>>
        tpu.wait_indirect_dma semaphore(%run_scoped3A : memref<!tpu.dma_semaphore, #tpu.memory_space<semaphore_mem>>) src(%arg7 : memref<128x16xf32, #tpu.memory_space<vmem>>) dst(%dma_wait3A_17 : memref<10240x16xf32, #tpu.memory_space<vmem_shared>>)
        tpu.yield
      }) : () -> ()
    }
    %scan3A_7 = arith.constant 79 : i32
    %barrier3A_8 = arith.constant 0 : index
    tpu.barrier barrier_id(%barrier3A_8)
    %mul3A_9 = arith.constant 640 : i32
    %mul3A_10 = arith.muli %arg1, %mul3A_9 : i32
    %mul3A_11 = arith.constant 640 : i32
    %mul3A_12 = arith.muli %arg1, %mul3A_11 : i32
    "tpu.region"() ({
      %run_scoped3A = tpu.sem_alloc : memref<!tpu.dma_semaphore, #tpu.memory_space<semaphore_mem>>
      %dma_start3A = arith.constant 0 : i32
      %dma_start3A_13 = tpu.memref_slice %arg5[%arg0, %mul3A_12, %dma_start3A] : memref<2x10240x16xf32, #tpu.memory_space<hbm>> -> memref<1x640x16xf32, #tpu.memory_space<hbm>>
      %dma_start3A_14 = tpu.memref_squeeze %dma_start3A_13 : memref<1x640x16xf32, #tpu.memory_space<hbm>> -> memref<640x16xf32, #tpu.memory_space<hbm>>
      %dma_start3A_15 = arith.constant 0 : i32
      %dma_start3A_16 = tpu.memref_slice %arg8[%mul3A_10, %dma_start3A_15] : memref<10240x16xf32, #tpu.memory_space<vmem_shared>> -> memref<640x16xf32, #tpu.memory_space<vmem_shared>>
      tpu.enqueue_dma source(%dma_start3A_16 : memref<640x16xf32, #tpu.memory_space<vmem_shared>>) target(%dma_start3A_14 : memref<640x16xf32, #tpu.memory_space<hbm>>) target_semaphore(%run_scoped3A : memref<!tpu.dma_semaphore, #tpu.memory_space<semaphore_mem>>)
      %dma_wait3A = arith.constant 0 : i32
      %dma_wait3A_17 = tpu.memref_slice %arg5[%arg0, %mul3A_12, %dma_wait3A] : memref<2x10240x16xf32, #tpu.memory_space<hbm>> -> memref<1x640x16xf32, #tpu.memory_space<hbm>>
      %dma_wait3A_18 = tpu.memref_squeeze %dma_wait3A_17 : memref<1x640x16xf32, #tpu.memory_space<hbm>> -> memref<640x16xf32, #tpu.memory_space<hbm>>
      %dma_wait3A_19 = arith.constant 0 : i32
      %dma_wait3A_20 = tpu.memref_slice %arg8[%mul3A_10, %dma_wait3A_19] : memref<10240x16xf32, #tpu.memory_space<vmem_shared>> -> memref<640x16xf32, #tpu.memory_space<vmem_shared>>
      tpu.wait_dma2 semaphore(%run_scoped3A : memref<!tpu.dma_semaphore, #tpu.memory_space<semaphore_mem>>) src(%dma_wait3A_20 : memref<640x16xf32, #tpu.memory_space<vmem_shared>>) dst(%dma_wait3A_18 : memref<640x16xf32, #tpu.memory_space<hbm>>)
      tpu.yield
    }) : () -> ()
    return
  }
}

#map = affine_map<(d0, d1) -> (0, 0)>
#map1 = affine_map<(d0, d1) -> (0, 0, 0)>
module attributes {stable_mosaic.version = 14 : i64} {
  func.func @_agg_body(%arg0: i32, %arg1: i32, %arg2: memref<10240x128xf32, #tpu.memory_space<hbm>>, %arg3: memref<32x79x128xi32, #tpu.memory_space<hbm>>, %arg4: memref<32x79x128xi32, #tpu.memory_space<hbm>>, %arg5: memref<128x128xf32, #tpu.memory_space<hbm>>, %arg6: memref<2x10240x128xf32, #tpu.memory_space<hbm>>, %arg7: memref<128xi32, #tpu.memory_space<vmem>>, %arg8: memref<128xi32, #tpu.memory_space<vmem>>, %arg9: memref<128xi32, #tpu.memory_space<vmem>>, %arg10: memref<128x128xf32, #tpu.memory_space<vmem>>, %arg11: memref<128x128xf32, #tpu.memory_space<vmem>>, %arg12: memref<10240x128xf32, #tpu.memory_space<vmem_shared>>, %arg13: memref<!tpu.dma_semaphore, #tpu.memory_space<semaphore_mem>>, %arg14: memref<!tpu.dma_semaphore, #tpu.memory_space<semaphore_mem>>) attributes {dimension_semantics = [#tpu.dimension_semantics<core_parallel>, #tpu.dimension_semantics<subcore_parallel>], iteration_bounds = array<i64: 2, 16>, scalar_prefetch = 0 : i64, scratch_operands = 8 : i64, tpu.core_type = #tpu.core_type<sc_vector_subcore>, window_params = [{transform_indices = #map}, {transform_indices = #map1}, {transform_indices = #map1}, {transform_indices = #map}, {transform_indices = #map1}]} {
    %mul3A = arith.constant 16 : i32
    %mul3A_0 = arith.muli %arg0, %mul3A : i32
    %add3A = arith.addi %mul3A_0, %arg1 : i32
    %mul3A_1 = arith.constant 640 : i32
    %mul3A_2 = arith.muli %arg1, %mul3A_1 : i32
    %add3A_3 = arith.constant 0 : i32
    %add3A_4 = arith.addi %mul3A_2, %add3A_3 : i32
    "tpu.region"() ({
      %run_scoped3A_33 = tpu.sem_alloc : memref<!tpu.dma_semaphore, #tpu.memory_space<semaphore_mem>>
      %dma_start3A_34 = arith.constant 0 : i32
      %dma_start3A_35 = tpu.memref_slice %arg12[%add3A_4, %dma_start3A_34] : memref<10240x128xf32, #tpu.memory_space<vmem_shared>> -> memref<128x128xf32, #tpu.memory_space<vmem_shared>>
      tpu.enqueue_dma source(%arg5 : memref<128x128xf32, #tpu.memory_space<hbm>>) target(%dma_start3A_35 : memref<128x128xf32, #tpu.memory_space<vmem_shared>>) target_semaphore(%run_scoped3A_33 : memref<!tpu.dma_semaphore, #tpu.memory_space<semaphore_mem>>)
      %dma_wait3A = arith.constant 0 : i32
      %dma_wait3A_36 = tpu.memref_slice %arg12[%add3A_4, %dma_wait3A] : memref<10240x128xf32, #tpu.memory_space<vmem_shared>> -> memref<128x128xf32, #tpu.memory_space<vmem_shared>>
      tpu.wait_dma2 semaphore(%run_scoped3A_33 : memref<!tpu.dma_semaphore, #tpu.memory_space<semaphore_mem>>) src(%arg5 : memref<128x128xf32, #tpu.memory_space<hbm>>) dst(%dma_wait3A_36 : memref<128x128xf32, #tpu.memory_space<vmem_shared>>)
      tpu.yield
    }) : () -> ()
    %mul3A_5 = arith.constant 640 : i32
    %mul3A_6 = arith.muli %arg1, %mul3A_5 : i32
    %add3A_7 = arith.constant 128 : i32
    %add3A_8 = arith.addi %mul3A_6, %add3A_7 : i32
    "tpu.region"() ({
      %run_scoped3A_33 = tpu.sem_alloc : memref<!tpu.dma_semaphore, #tpu.memory_space<semaphore_mem>>
      %dma_start3A_34 = arith.constant 0 : i32
      %dma_start3A_35 = tpu.memref_slice %arg12[%add3A_8, %dma_start3A_34] : memref<10240x128xf32, #tpu.memory_space<vmem_shared>> -> memref<128x128xf32, #tpu.memory_space<vmem_shared>>
      tpu.enqueue_dma source(%arg5 : memref<128x128xf32, #tpu.memory_space<hbm>>) target(%dma_start3A_35 : memref<128x128xf32, #tpu.memory_space<vmem_shared>>) target_semaphore(%run_scoped3A_33 : memref<!tpu.dma_semaphore, #tpu.memory_space<semaphore_mem>>)
      %dma_wait3A = arith.constant 0 : i32
      %dma_wait3A_36 = tpu.memref_slice %arg12[%add3A_8, %dma_wait3A] : memref<10240x128xf32, #tpu.memory_space<vmem_shared>> -> memref<128x128xf32, #tpu.memory_space<vmem_shared>>
      tpu.wait_dma2 semaphore(%run_scoped3A_33 : memref<!tpu.dma_semaphore, #tpu.memory_space<semaphore_mem>>) src(%arg5 : memref<128x128xf32, #tpu.memory_space<hbm>>) dst(%dma_wait3A_36 : memref<128x128xf32, #tpu.memory_space<vmem_shared>>)
      tpu.yield
    }) : () -> ()
    %mul3A_9 = arith.constant 640 : i32
    %mul3A_10 = arith.muli %arg1, %mul3A_9 : i32
    %add3A_11 = arith.constant 256 : i32
    %add3A_12 = arith.addi %mul3A_10, %add3A_11 : i32
    "tpu.region"() ({
      %run_scoped3A_33 = tpu.sem_alloc : memref<!tpu.dma_semaphore, #tpu.memory_space<semaphore_mem>>
      %dma_start3A_34 = arith.constant 0 : i32
      %dma_start3A_35 = tpu.memref_slice %arg12[%add3A_12, %dma_start3A_34] : memref<10240x128xf32, #tpu.memory_space<vmem_shared>> -> memref<128x128xf32, #tpu.memory_space<vmem_shared>>
      tpu.enqueue_dma source(%arg5 : memref<128x128xf32, #tpu.memory_space<hbm>>) target(%dma_start3A_35 : memref<128x128xf32, #tpu.memory_space<vmem_shared>>) target_semaphore(%run_scoped3A_33 : memref<!tpu.dma_semaphore, #tpu.memory_space<semaphore_mem>>)
      %dma_wait3A = arith.constant 0 : i32
      %dma_wait3A_36 = tpu.memref_slice %arg12[%add3A_12, %dma_wait3A] : memref<10240x128xf32, #tpu.memory_space<vmem_shared>> -> memref<128x128xf32, #tpu.memory_space<vmem_shared>>
      tpu.wait_dma2 semaphore(%run_scoped3A_33 : memref<!tpu.dma_semaphore, #tpu.memory_space<semaphore_mem>>) src(%arg5 : memref<128x128xf32, #tpu.memory_space<hbm>>) dst(%dma_wait3A_36 : memref<128x128xf32, #tpu.memory_space<vmem_shared>>)
      tpu.yield
    }) : () -> ()
    %mul3A_13 = arith.constant 640 : i32
    %mul3A_14 = arith.muli %arg1, %mul3A_13 : i32
    %add3A_15 = arith.constant 384 : i32
    %add3A_16 = arith.addi %mul3A_14, %add3A_15 : i32
    "tpu.region"() ({
      %run_scoped3A_33 = tpu.sem_alloc : memref<!tpu.dma_semaphore, #tpu.memory_space<semaphore_mem>>
      %dma_start3A_34 = arith.constant 0 : i32
      %dma_start3A_35 = tpu.memref_slice %arg12[%add3A_16, %dma_start3A_34] : memref<10240x128xf32, #tpu.memory_space<vmem_shared>> -> memref<128x128xf32, #tpu.memory_space<vmem_shared>>
      tpu.enqueue_dma source(%arg5 : memref<128x128xf32, #tpu.memory_space<hbm>>) target(%dma_start3A_35 : memref<128x128xf32, #tpu.memory_space<vmem_shared>>) target_semaphore(%run_scoped3A_33 : memref<!tpu.dma_semaphore, #tpu.memory_space<semaphore_mem>>)
      %dma_wait3A = arith.constant 0 : i32
      %dma_wait3A_36 = tpu.memref_slice %arg12[%add3A_16, %dma_wait3A] : memref<10240x128xf32, #tpu.memory_space<vmem_shared>> -> memref<128x128xf32, #tpu.memory_space<vmem_shared>>
      tpu.wait_dma2 semaphore(%run_scoped3A_33 : memref<!tpu.dma_semaphore, #tpu.memory_space<semaphore_mem>>) src(%arg5 : memref<128x128xf32, #tpu.memory_space<hbm>>) dst(%dma_wait3A_36 : memref<128x128xf32, #tpu.memory_space<vmem_shared>>)
      tpu.yield
    }) : () -> ()
    %mul3A_17 = arith.constant 640 : i32
    %mul3A_18 = arith.muli %arg1, %mul3A_17 : i32
    %add3A_19 = arith.constant 512 : i32
    %add3A_20 = arith.addi %mul3A_18, %add3A_19 : i32
    "tpu.region"() ({
      %run_scoped3A_33 = tpu.sem_alloc : memref<!tpu.dma_semaphore, #tpu.memory_space<semaphore_mem>>
      %dma_start3A_34 = arith.constant 0 : i32
      %dma_start3A_35 = tpu.memref_slice %arg12[%add3A_20, %dma_start3A_34] : memref<10240x128xf32, #tpu.memory_space<vmem_shared>> -> memref<128x128xf32, #tpu.memory_space<vmem_shared>>
      tpu.enqueue_dma source(%arg5 : memref<128x128xf32, #tpu.memory_space<hbm>>) target(%dma_start3A_35 : memref<128x128xf32, #tpu.memory_space<vmem_shared>>) target_semaphore(%run_scoped3A_33 : memref<!tpu.dma_semaphore, #tpu.memory_space<semaphore_mem>>)
      %dma_wait3A = arith.constant 0 : i32
      %dma_wait3A_36 = tpu.memref_slice %arg12[%add3A_20, %dma_wait3A] : memref<10240x128xf32, #tpu.memory_space<vmem_shared>> -> memref<128x128xf32, #tpu.memory_space<vmem_shared>>
      tpu.wait_dma2 semaphore(%run_scoped3A_33 : memref<!tpu.dma_semaphore, #tpu.memory_space<semaphore_mem>>) src(%arg5 : memref<128x128xf32, #tpu.memory_space<hbm>>) dst(%dma_wait3A_36 : memref<128x128xf32, #tpu.memory_space<vmem_shared>>)
      tpu.yield
    }) : () -> ()
    %barrier3A = arith.constant 0 : index
    tpu.barrier barrier_id(%barrier3A)
    %run_scoped3A = arith.constant 0 : i32
    "tpu.region"() ({
      %run_scoped3A_33 = tpu.sem_alloc : memref<!tpu.dma_semaphore, #tpu.memory_space<semaphore_mem>>
      %dma_start3A_34 = arith.constant 0 : i32
      %dma_start3A_35 = tpu.memref_slice %arg3[%add3A, %run_scoped3A, %dma_start3A_34] : memref<32x79x128xi32, #tpu.memory_space<hbm>> -> memref<1x1x128xi32, #tpu.memory_space<hbm>>
      %dma_start3A_36 = tpu.memref_squeeze %dma_start3A_35 : memref<1x1x128xi32, #tpu.memory_space<hbm>> -> memref<128xi32, #tpu.memory_space<hbm>>
      %dma_start3A_37 = arith.constant 0 : i32
      %dma_start3A_38 = tpu.memref_slice %arg3[%add3A, %run_scoped3A, %dma_start3A_37] : memref<32x79x128xi32, #tpu.memory_space<hbm>> -> memref<1x1x128xi32, #tpu.memory_space<hbm>>
      %dma_start3A_39 = tpu.memref_squeeze %dma_start3A_38 : memref<1x1x128xi32, #tpu.memory_space<hbm>> -> memref<128xi32, #tpu.memory_space<hbm>>
      tpu.enqueue_dma source(%dma_start3A_39 : memref<128xi32, #tpu.memory_space<hbm>>) target(%arg7 : memref<128xi32, #tpu.memory_space<vmem>>) target_semaphore(%run_scoped3A_33 : memref<!tpu.dma_semaphore, #tpu.memory_space<semaphore_mem>>)
      %dma_wait3A = arith.constant 0 : i32
      %dma_wait3A_40 = tpu.memref_slice %arg3[%add3A, %run_scoped3A, %dma_wait3A] : memref<32x79x128xi32, #tpu.memory_space<hbm>> -> memref<1x1x128xi32, #tpu.memory_space<hbm>>
      %dma_wait3A_41 = tpu.memref_squeeze %dma_wait3A_40 : memref<1x1x128xi32, #tpu.memory_space<hbm>> -> memref<128xi32, #tpu.memory_space<hbm>>
      %dma_wait3A_42 = arith.constant 0 : i32
      %dma_wait3A_43 = tpu.memref_slice %arg3[%add3A, %run_scoped3A, %dma_wait3A_42] : memref<32x79x128xi32, #tpu.memory_space<hbm>> -> memref<1x1x128xi32, #tpu.memory_space<hbm>>
      %dma_wait3A_44 = tpu.memref_squeeze %dma_wait3A_43 : memref<1x1x128xi32, #tpu.memory_space<hbm>> -> memref<128xi32, #tpu.memory_space<hbm>>
      tpu.wait_dma2 semaphore(%run_scoped3A_33 : memref<!tpu.dma_semaphore, #tpu.memory_space<semaphore_mem>>) src(%dma_wait3A_44 : memref<128xi32, #tpu.memory_space<hbm>>) dst(%arg7 : memref<128xi32, #tpu.memory_space<vmem>>)
      tpu.yield
    }) : () -> ()
    %dma_start3A = arith.constant 0 : i32
    %dma_start3A_21 = arith.constant 0 : i32
    %dma_start3A_22 = tpu.memref_slice %arg2[%dma_start3A, %dma_start3A_21] : memref<10240x128xf32, #tpu.memory_space<hbm>> -> memref<10240x128xf32, #tpu.memory_space<hbm>>
    tpu.enqueue_indirect_dma source(%dma_start3A_22 : memref<10240x128xf32, #tpu.memory_space<hbm>>) target(%arg10 : memref<128x128xf32, #tpu.memory_space<vmem>>) offsets(%arg7 : memref<128xi32, #tpu.memory_space<vmem>>) semaphore(%arg13 : memref<!tpu.dma_semaphore, #tpu.memory_space<semaphore_mem>>)
    %scan3A = arith.constant 0 : i32
    %scan3A_23 = arith.constant 0 : i32
    %scan3A_24 = arith.constant 79 : i32
    %scan3A_25 = arith.addi %scan3A_23, %scan3A_24 : i32
    %scan3A_26 = arith.constant 1 : i32
    scf.for %scan3A_33 = %scan3A_23 to %scan3A_25 step %scan3A_26  : i32 {
      %jit3A = arith.constant 2 : i32
      %eq3A = arith.constant 0 : i32
      %eq3A_34 = arith.cmpi eq, %jit3A, %eq3A : i32
      %jit3A_35 = arith.constant 1 : i32
      %select_n3A = arith.select %eq3A_34, %jit3A_35, %jit3A : i32
      %rem3A = arith.remsi %scan3A_33, %select_n3A : i32
      %ne3A = arith.constant 0 : i32
      %ne3A_36 = arith.cmpi ne, %rem3A, %ne3A : i32
      %lt3A = arith.constant 0 : i32
      %lt3A_37 = arith.cmpi slt, %rem3A, %lt3A : i32
      %lt3A_38 = arith.constant 0 : i32
      %lt3A_39 = arith.cmpi slt, %select_n3A, %lt3A_38 : i32
      %ne3A_40 = arith.xori %lt3A_37, %lt3A_39 : i1
      %and3A = arith.andi %ne3A_40, %ne3A_36 : i1
      %add3A_41 = arith.addi %rem3A, %select_n3A : i32
      %select_n3A_42 = arith.select %and3A, %add3A_41, %rem3A : i32
      %eq3A_43 = arith.constant 0 : i32
      %eq3A_44 = arith.cmpi eq, %select_n3A_42, %eq3A_43 : i32
      %convert_element_type3A = arith.extui %eq3A_44 : i1 to i32
      %cond3A = arith.constant 0 : i32
      %cond3A_45 = arith.cmpi ne, %convert_element_type3A, %cond3A : i32
      scf.if %cond3A_45 {
        %add3A_67 = arith.constant 1 : i32
        %add3A_68 = arith.addi %scan3A_33, %add3A_67 : i32
        %lt3A_69 = arith.constant 79 : i32
        %lt3A_70 = arith.cmpi slt, %add3A_68, %lt3A_69 : i32
        %convert_element_type3A_71 = arith.extui %lt3A_70 : i1 to i32
        %cond3A_72 = arith.constant 0 : i32
        %cond3A_73 = arith.cmpi ne, %convert_element_type3A_71, %cond3A_72 : i32
        scf.if %cond3A_73 {
          %add3A_76 = arith.constant 1 : i32
          %add3A_77 = arith.addi %scan3A_33, %add3A_76 : i32
          "tpu.region"() ({
            %run_scoped3A_81 = tpu.sem_alloc : memref<!tpu.dma_semaphore, #tpu.memory_space<semaphore_mem>>
            %dma_start3A_82 = arith.constant 0 : i32
            %dma_start3A_83 = tpu.memref_slice %arg3[%add3A, %add3A_77, %dma_start3A_82] : memref<32x79x128xi32, #tpu.memory_space<hbm>> -> memref<1x1x128xi32, #tpu.memory_space<hbm>>
            %dma_start3A_84 = tpu.memref_squeeze %dma_start3A_83 : memref<1x1x128xi32, #tpu.memory_space<hbm>> -> memref<128xi32, #tpu.memory_space<hbm>>
            %dma_start3A_85 = arith.constant 0 : i32
            %dma_start3A_86 = tpu.memref_slice %arg3[%add3A, %add3A_77, %dma_start3A_85] : memref<32x79x128xi32, #tpu.memory_space<hbm>> -> memref<1x1x128xi32, #tpu.memory_space<hbm>>
            %dma_start3A_87 = tpu.memref_squeeze %dma_start3A_86 : memref<1x1x128xi32, #tpu.memory_space<hbm>> -> memref<128xi32, #tpu.memory_space<hbm>>
            tpu.enqueue_dma source(%dma_start3A_87 : memref<128xi32, #tpu.memory_space<hbm>>) target(%arg8 : memref<128xi32, #tpu.memory_space<vmem>>) target_semaphore(%run_scoped3A_81 : memref<!tpu.dma_semaphore, #tpu.memory_space<semaphore_mem>>)
            %dma_wait3A_88 = arith.constant 0 : i32
            %dma_wait3A_89 = tpu.memref_slice %arg3[%add3A, %add3A_77, %dma_wait3A_88] : memref<32x79x128xi32, #tpu.memory_space<hbm>> -> memref<1x1x128xi32, #tpu.memory_space<hbm>>
            %dma_wait3A_90 = tpu.memref_squeeze %dma_wait3A_89 : memref<1x1x128xi32, #tpu.memory_space<hbm>> -> memref<128xi32, #tpu.memory_space<hbm>>
            %dma_wait3A_91 = arith.constant 0 : i32
            %dma_wait3A_92 = tpu.memref_slice %arg3[%add3A, %add3A_77, %dma_wait3A_91] : memref<32x79x128xi32, #tpu.memory_space<hbm>> -> memref<1x1x128xi32, #tpu.memory_space<hbm>>
            %dma_wait3A_93 = tpu.memref_squeeze %dma_wait3A_92 : memref<1x1x128xi32, #tpu.memory_space<hbm>> -> memref<128xi32, #tpu.memory_space<hbm>>
            tpu.wait_dma2 semaphore(%run_scoped3A_81 : memref<!tpu.dma_semaphore, #tpu.memory_space<semaphore_mem>>) src(%dma_wait3A_93 : memref<128xi32, #tpu.memory_space<hbm>>) dst(%arg8 : memref<128xi32, #tpu.memory_space<vmem>>)
            tpu.yield
          }) : () -> ()
          %dma_start3A_78 = arith.constant 0 : i32
          %dma_start3A_79 = arith.constant 0 : i32
          %dma_start3A_80 = tpu.memref_slice %arg2[%dma_start3A_78, %dma_start3A_79] : memref<10240x128xf32, #tpu.memory_space<hbm>> -> memref<10240x128xf32, #tpu.memory_space<hbm>>
          tpu.enqueue_indirect_dma source(%dma_start3A_80 : memref<10240x128xf32, #tpu.memory_space<hbm>>) target(%arg11 : memref<128x128xf32, #tpu.memory_space<vmem>>) offsets(%arg8 : memref<128xi32, #tpu.memory_space<vmem>>) semaphore(%arg14 : memref<!tpu.dma_semaphore, #tpu.memory_space<semaphore_mem>>)
        } else {
        }
        %dma_wait3A = arith.constant 0 : i32
        %dma_wait3A_74 = arith.constant 0 : i32
        %dma_wait3A_75 = tpu.memref_slice %arg2[%dma_wait3A, %dma_wait3A_74] : memref<10240x128xf32, #tpu.memory_space<hbm>> -> memref<10240x128xf32, #tpu.memory_space<hbm>>
        tpu.wait_indirect_dma semaphore(%arg13 : memref<!tpu.dma_semaphore, #tpu.memory_space<semaphore_mem>>) src(%dma_wait3A_75 : memref<10240x128xf32, #tpu.memory_space<hbm>>) dst(%arg10 : memref<128x128xf32, #tpu.memory_space<vmem>>)
        "tpu.region"() ({
          %run_scoped3A_76 = tpu.sem_alloc : memref<!tpu.dma_semaphore, #tpu.memory_space<semaphore_mem>>
          %dma_start3A_77 = arith.constant 0 : i32
          %dma_start3A_78 = tpu.memref_slice %arg4[%add3A, %scan3A_33, %dma_start3A_77] : memref<32x79x128xi32, #tpu.memory_space<hbm>> -> memref<1x1x128xi32, #tpu.memory_space<hbm>>
          %dma_start3A_79 = tpu.memref_squeeze %dma_start3A_78 : memref<1x1x128xi32, #tpu.memory_space<hbm>> -> memref<128xi32, #tpu.memory_space<hbm>>
          %dma_start3A_80 = arith.constant 0 : i32
          %dma_start3A_81 = tpu.memref_slice %arg4[%add3A, %scan3A_33, %dma_start3A_80] : memref<32x79x128xi32, #tpu.memory_space<hbm>> -> memref<1x1x128xi32, #tpu.memory_space<hbm>>
          %dma_start3A_82 = tpu.memref_squeeze %dma_start3A_81 : memref<1x1x128xi32, #tpu.memory_space<hbm>> -> memref<128xi32, #tpu.memory_space<hbm>>
          tpu.enqueue_dma source(%dma_start3A_82 : memref<128xi32, #tpu.memory_space<hbm>>) target(%arg9 : memref<128xi32, #tpu.memory_space<vmem>>) target_semaphore(%run_scoped3A_76 : memref<!tpu.dma_semaphore, #tpu.memory_space<semaphore_mem>>)
          %dma_wait3A_83 = arith.constant 0 : i32
          %dma_wait3A_84 = tpu.memref_slice %arg4[%add3A, %scan3A_33, %dma_wait3A_83] : memref<32x79x128xi32, #tpu.memory_space<hbm>> -> memref<1x1x128xi32, #tpu.memory_space<hbm>>
          %dma_wait3A_85 = tpu.memref_squeeze %dma_wait3A_84 : memref<1x1x128xi32, #tpu.memory_space<hbm>> -> memref<128xi32, #tpu.memory_space<hbm>>
          %dma_wait3A_86 = arith.constant 0 : i32
          %dma_wait3A_87 = tpu.memref_slice %arg4[%add3A, %scan3A_33, %dma_wait3A_86] : memref<32x79x128xi32, #tpu.memory_space<hbm>> -> memref<1x1x128xi32, #tpu.memory_space<hbm>>
          %dma_wait3A_88 = tpu.memref_squeeze %dma_wait3A_87 : memref<1x1x128xi32, #tpu.memory_space<hbm>> -> memref<128xi32, #tpu.memory_space<hbm>>
          tpu.wait_dma2 semaphore(%run_scoped3A_76 : memref<!tpu.dma_semaphore, #tpu.memory_space<semaphore_mem>>) src(%dma_wait3A_88 : memref<128xi32, #tpu.memory_space<hbm>>) dst(%arg9 : memref<128xi32, #tpu.memory_space<vmem>>)
          tpu.yield
        }) : () -> ()
        "tpu.region"() ({
          %run_scoped3A_76 = tpu.sem_alloc : memref<!tpu.dma_semaphore, #tpu.memory_space<semaphore_mem>>
          %dma_start3A_77 = arith.constant 0 : i32
          %dma_start3A_78 = arith.constant 0 : i32
          %dma_start3A_79 = tpu.memref_slice %arg12[%dma_start3A_77, %dma_start3A_78] : memref<10240x128xf32, #tpu.memory_space<vmem_shared>> -> memref<10240x128xf32, #tpu.memory_space<vmem_shared>>
          tpu.enqueue_indirect_dma source(%arg10 : memref<128x128xf32, #tpu.memory_space<vmem>>) target(%dma_start3A_79 : memref<10240x128xf32, #tpu.memory_space<vmem_shared>>) offsets(%arg9 : memref<128xi32, #tpu.memory_space<vmem>>) semaphore(%run_scoped3A_76 : memref<!tpu.dma_semaphore, #tpu.memory_space<semaphore_mem>>) {add = true}
          %dma_wait3A_80 = arith.constant 0 : i32
          %dma_wait3A_81 = arith.constant 0 : i32
          %dma_wait3A_82 = tpu.memref_slice %arg12[%dma_wait3A_80, %dma_wait3A_81] : memref<10240x128xf32, #tpu.memory_space<vmem_shared>> -> memref<10240x128xf32, #tpu.memory_space<vmem_shared>>
          tpu.wait_indirect_dma semaphore(%run_scoped3A_76 : memref<!tpu.dma_semaphore, #tpu.memory_space<semaphore_mem>>) src(%arg10 : memref<128x128xf32, #tpu.memory_space<vmem>>) dst(%dma_wait3A_82 : memref<10240x128xf32, #tpu.memory_space<vmem_shared>>)
          tpu.yield
        }) : () -> ()
      } else {
      }
      %jit3A_46 = arith.constant 2 : i32
      %eq3A_47 = arith.constant 0 : i32
      %eq3A_48 = arith.cmpi eq, %jit3A_46, %eq3A_47 : i32
      %jit3A_49 = arith.constant 1 : i32
      %select_n3A_50 = arith.select %eq3A_48, %jit3A_49, %jit3A_46 : i32
      %rem3A_51 = arith.remsi %scan3A_33, %select_n3A_50 : i32
      %ne3A_52 = arith.constant 0 : i32
      %ne3A_53 = arith.cmpi ne, %rem3A_51, %ne3A_52 : i32
      %lt3A_54 = arith.constant 0 : i32
      %lt3A_55 = arith.cmpi slt, %rem3A_51, %lt3A_54 : i32
      %lt3A_56 = arith.constant 0 : i32
      %lt3A_57 = arith.cmpi slt, %select_n3A_50, %lt3A_56 : i32
      %ne3A_58 = arith.xori %lt3A_55, %lt3A_57 : i1
      %and3A_59 = arith.andi %ne3A_58, %ne3A_53 : i1
      %add3A_60 = arith.addi %rem3A_51, %select_n3A_50 : i32
      %select_n3A_61 = arith.select %and3A_59, %add3A_60, %rem3A_51 : i32
      %eq3A_62 = arith.constant 1 : i32
      %eq3A_63 = arith.cmpi eq, %select_n3A_61, %eq3A_62 : i32
      %convert_element_type3A_64 = arith.extui %eq3A_63 : i1 to i32
      %cond3A_65 = arith.constant 0 : i32
      %cond3A_66 = arith.cmpi ne, %convert_element_type3A_64, %cond3A_65 : i32
      scf.if %cond3A_66 {
        %add3A_67 = arith.constant 1 : i32
        %add3A_68 = arith.addi %scan3A_33, %add3A_67 : i32
        %lt3A_69 = arith.constant 79 : i32
        %lt3A_70 = arith.cmpi slt, %add3A_68, %lt3A_69 : i32
        %convert_element_type3A_71 = arith.extui %lt3A_70 : i1 to i32
        %cond3A_72 = arith.constant 0 : i32
        %cond3A_73 = arith.cmpi ne, %convert_element_type3A_71, %cond3A_72 : i32
        scf.if %cond3A_73 {
          %add3A_76 = arith.constant 1 : i32
          %add3A_77 = arith.addi %scan3A_33, %add3A_76 : i32
          "tpu.region"() ({
            %run_scoped3A_81 = tpu.sem_alloc : memref<!tpu.dma_semaphore, #tpu.memory_space<semaphore_mem>>
            %dma_start3A_82 = arith.constant 0 : i32
            %dma_start3A_83 = tpu.memref_slice %arg3[%add3A, %add3A_77, %dma_start3A_82] : memref<32x79x128xi32, #tpu.memory_space<hbm>> -> memref<1x1x128xi32, #tpu.memory_space<hbm>>
            %dma_start3A_84 = tpu.memref_squeeze %dma_start3A_83 : memref<1x1x128xi32, #tpu.memory_space<hbm>> -> memref<128xi32, #tpu.memory_space<hbm>>
            %dma_start3A_85 = arith.constant 0 : i32
            %dma_start3A_86 = tpu.memref_slice %arg3[%add3A, %add3A_77, %dma_start3A_85] : memref<32x79x128xi32, #tpu.memory_space<hbm>> -> memref<1x1x128xi32, #tpu.memory_space<hbm>>
            %dma_start3A_87 = tpu.memref_squeeze %dma_start3A_86 : memref<1x1x128xi32, #tpu.memory_space<hbm>> -> memref<128xi32, #tpu.memory_space<hbm>>
            tpu.enqueue_dma source(%dma_start3A_87 : memref<128xi32, #tpu.memory_space<hbm>>) target(%arg7 : memref<128xi32, #tpu.memory_space<vmem>>) target_semaphore(%run_scoped3A_81 : memref<!tpu.dma_semaphore, #tpu.memory_space<semaphore_mem>>)
            %dma_wait3A_88 = arith.constant 0 : i32
            %dma_wait3A_89 = tpu.memref_slice %arg3[%add3A, %add3A_77, %dma_wait3A_88] : memref<32x79x128xi32, #tpu.memory_space<hbm>> -> memref<1x1x128xi32, #tpu.memory_space<hbm>>
            %dma_wait3A_90 = tpu.memref_squeeze %dma_wait3A_89 : memref<1x1x128xi32, #tpu.memory_space<hbm>> -> memref<128xi32, #tpu.memory_space<hbm>>
            %dma_wait3A_91 = arith.constant 0 : i32
            %dma_wait3A_92 = tpu.memref_slice %arg3[%add3A, %add3A_77, %dma_wait3A_91] : memref<32x79x128xi32, #tpu.memory_space<hbm>> -> memref<1x1x128xi32, #tpu.memory_space<hbm>>
            %dma_wait3A_93 = tpu.memref_squeeze %dma_wait3A_92 : memref<1x1x128xi32, #tpu.memory_space<hbm>> -> memref<128xi32, #tpu.memory_space<hbm>>
            tpu.wait_dma2 semaphore(%run_scoped3A_81 : memref<!tpu.dma_semaphore, #tpu.memory_space<semaphore_mem>>) src(%dma_wait3A_93 : memref<128xi32, #tpu.memory_space<hbm>>) dst(%arg7 : memref<128xi32, #tpu.memory_space<vmem>>)
            tpu.yield
          }) : () -> ()
          %dma_start3A_78 = arith.constant 0 : i32
          %dma_start3A_79 = arith.constant 0 : i32
          %dma_start3A_80 = tpu.memref_slice %arg2[%dma_start3A_78, %dma_start3A_79] : memref<10240x128xf32, #tpu.memory_space<hbm>> -> memref<10240x128xf32, #tpu.memory_space<hbm>>
          tpu.enqueue_indirect_dma source(%dma_start3A_80 : memref<10240x128xf32, #tpu.memory_space<hbm>>) target(%arg10 : memref<128x128xf32, #tpu.memory_space<vmem>>) offsets(%arg7 : memref<128xi32, #tpu.memory_space<vmem>>) semaphore(%arg13 : memref<!tpu.dma_semaphore, #tpu.memory_space<semaphore_mem>>)
        } else {
        }
        %dma_wait3A = arith.constant 0 : i32
        %dma_wait3A_74 = arith.constant 0 : i32
        %dma_wait3A_75 = tpu.memref_slice %arg2[%dma_wait3A, %dma_wait3A_74] : memref<10240x128xf32, #tpu.memory_space<hbm>> -> memref<10240x128xf32, #tpu.memory_space<hbm>>
        tpu.wait_indirect_dma semaphore(%arg14 : memref<!tpu.dma_semaphore, #tpu.memory_space<semaphore_mem>>) src(%dma_wait3A_75 : memref<10240x128xf32, #tpu.memory_space<hbm>>) dst(%arg11 : memref<128x128xf32, #tpu.memory_space<vmem>>)
        "tpu.region"() ({
          %run_scoped3A_76 = tpu.sem_alloc : memref<!tpu.dma_semaphore, #tpu.memory_space<semaphore_mem>>
          %dma_start3A_77 = arith.constant 0 : i32
          %dma_start3A_78 = tpu.memref_slice %arg4[%add3A, %scan3A_33, %dma_start3A_77] : memref<32x79x128xi32, #tpu.memory_space<hbm>> -> memref<1x1x128xi32, #tpu.memory_space<hbm>>
          %dma_start3A_79 = tpu.memref_squeeze %dma_start3A_78 : memref<1x1x128xi32, #tpu.memory_space<hbm>> -> memref<128xi32, #tpu.memory_space<hbm>>
          %dma_start3A_80 = arith.constant 0 : i32
          %dma_start3A_81 = tpu.memref_slice %arg4[%add3A, %scan3A_33, %dma_start3A_80] : memref<32x79x128xi32, #tpu.memory_space<hbm>> -> memref<1x1x128xi32, #tpu.memory_space<hbm>>
          %dma_start3A_82 = tpu.memref_squeeze %dma_start3A_81 : memref<1x1x128xi32, #tpu.memory_space<hbm>> -> memref<128xi32, #tpu.memory_space<hbm>>
          tpu.enqueue_dma source(%dma_start3A_82 : memref<128xi32, #tpu.memory_space<hbm>>) target(%arg9 : memref<128xi32, #tpu.memory_space<vmem>>) target_semaphore(%run_scoped3A_76 : memref<!tpu.dma_semaphore, #tpu.memory_space<semaphore_mem>>)
          %dma_wait3A_83 = arith.constant 0 : i32
          %dma_wait3A_84 = tpu.memref_slice %arg4[%add3A, %scan3A_33, %dma_wait3A_83] : memref<32x79x128xi32, #tpu.memory_space<hbm>> -> memref<1x1x128xi32, #tpu.memory_space<hbm>>
          %dma_wait3A_85 = tpu.memref_squeeze %dma_wait3A_84 : memref<1x1x128xi32, #tpu.memory_space<hbm>> -> memref<128xi32, #tpu.memory_space<hbm>>
          %dma_wait3A_86 = arith.constant 0 : i32
          %dma_wait3A_87 = tpu.memref_slice %arg4[%add3A, %scan3A_33, %dma_wait3A_86] : memref<32x79x128xi32, #tpu.memory_space<hbm>> -> memref<1x1x128xi32, #tpu.memory_space<hbm>>
          %dma_wait3A_88 = tpu.memref_squeeze %dma_wait3A_87 : memref<1x1x128xi32, #tpu.memory_space<hbm>> -> memref<128xi32, #tpu.memory_space<hbm>>
          tpu.wait_dma2 semaphore(%run_scoped3A_76 : memref<!tpu.dma_semaphore, #tpu.memory_space<semaphore_mem>>) src(%dma_wait3A_88 : memref<128xi32, #tpu.memory_space<hbm>>) dst(%arg9 : memref<128xi32, #tpu.memory_space<vmem>>)
          tpu.yield
        }) : () -> ()
        "tpu.region"() ({
          %run_scoped3A_76 = tpu.sem_alloc : memref<!tpu.dma_semaphore, #tpu.memory_space<semaphore_mem>>
          %dma_start3A_77 = arith.constant 0 : i32
          %dma_start3A_78 = arith.constant 0 : i32
          %dma_start3A_79 = tpu.memref_slice %arg12[%dma_start3A_77, %dma_start3A_78] : memref<10240x128xf32, #tpu.memory_space<vmem_shared>> -> memref<10240x128xf32, #tpu.memory_space<vmem_shared>>
          tpu.enqueue_indirect_dma source(%arg11 : memref<128x128xf32, #tpu.memory_space<vmem>>) target(%dma_start3A_79 : memref<10240x128xf32, #tpu.memory_space<vmem_shared>>) offsets(%arg9 : memref<128xi32, #tpu.memory_space<vmem>>) semaphore(%run_scoped3A_76 : memref<!tpu.dma_semaphore, #tpu.memory_space<semaphore_mem>>) {add = true}
          %dma_wait3A_80 = arith.constant 0 : i32
          %dma_wait3A_81 = arith.constant 0 : i32
          %dma_wait3A_82 = tpu.memref_slice %arg12[%dma_wait3A_80, %dma_wait3A_81] : memref<10240x128xf32, #tpu.memory_space<vmem_shared>> -> memref<10240x128xf32, #tpu.memory_space<vmem_shared>>
          tpu.wait_indirect_dma semaphore(%run_scoped3A_76 : memref<!tpu.dma_semaphore, #tpu.memory_space<semaphore_mem>>) src(%arg11 : memref<128x128xf32, #tpu.memory_space<vmem>>) dst(%dma_wait3A_82 : memref<10240x128xf32, #tpu.memory_space<vmem_shared>>)
          tpu.yield
        }) : () -> ()
      } else {
      }
    }
    %scan3A_27 = arith.constant 79 : i32
    %barrier3A_28 = arith.constant 0 : index
    tpu.barrier barrier_id(%barrier3A_28)
    %mul3A_29 = arith.constant 640 : i32
    %mul3A_30 = arith.muli %arg1, %mul3A_29 : i32
    %mul3A_31 = arith.constant 640 : i32
    %mul3A_32 = arith.muli %arg1, %mul3A_31 : i32
    "tpu.region"() ({
      %run_scoped3A_33 = tpu.sem_alloc : memref<!tpu.dma_semaphore, #tpu.memory_space<semaphore_mem>>
      %dma_start3A_34 = arith.constant 0 : i32
      %dma_start3A_35 = tpu.memref_slice %arg6[%arg0, %mul3A_32, %dma_start3A_34] : memref<2x10240x128xf32, #tpu.memory_space<hbm>> -> memref<1x640x128xf32, #tpu.memory_space<hbm>>
      %dma_start3A_36 = tpu.memref_squeeze %dma_start3A_35 : memref<1x640x128xf32, #tpu.memory_space<hbm>> -> memref<640x128xf32, #tpu.memory_space<hbm>>
      %dma_start3A_37 = arith.constant 0 : i32
      %dma_start3A_38 = tpu.memref_slice %arg12[%mul3A_30, %dma_start3A_37] : memref<10240x128xf32, #tpu.memory_space<vmem_shared>> -> memref<640x128xf32, #tpu.memory_space<vmem_shared>>
      tpu.enqueue_dma source(%dma_start3A_38 : memref<640x128xf32, #tpu.memory_space<vmem_shared>>) target(%dma_start3A_36 : memref<640x128xf32, #tpu.memory_space<hbm>>) target_semaphore(%run_scoped3A_33 : memref<!tpu.dma_semaphore, #tpu.memory_space<semaphore_mem>>)
      %dma_wait3A = arith.constant 0 : i32
      %dma_wait3A_39 = tpu.memref_slice %arg6[%arg0, %mul3A_32, %dma_wait3A] : memref<2x10240x128xf32, #tpu.memory_space<hbm>> -> memref<1x640x128xf32, #tpu.memory_space<hbm>>
      %dma_wait3A_40 = tpu.memref_squeeze %dma_wait3A_39 : memref<1x640x128xf32, #tpu.memory_space<hbm>> -> memref<640x128xf32, #tpu.memory_space<hbm>>
      %dma_wait3A_41 = arith.constant 0 : i32
      %dma_wait3A_42 = tpu.memref_slice %arg12[%mul3A_30, %dma_wait3A_41] : memref<10240x128xf32, #tpu.memory_space<vmem_shared>> -> memref<640x128xf32, #tpu.memory_space<vmem_shared>>
      tpu.wait_dma2 semaphore(%run_scoped3A_33 : memref<!tpu.dma_semaphore, #tpu.memory_space<semaphore_mem>>) src(%dma_wait3A_42 : memref<640x128xf32, #tpu.memory_space<vmem_shared>>) dst(%dma_wait3A_40 : memref<640x128xf32, #tpu.memory_space<hbm>>)
      tpu.yield
    }) : () -> ()
    return
  }
}

#map = affine_map<(d0, d1) -> (0, 0)>
#map1 = affine_map<(d0, d1) -> (0, 0, 0)>
module attributes {stable_mosaic.version = 14 : i64} {
  func.func @_agg_body(%arg0: i32, %arg1: i32, %arg2: memref<10240x128xf32, #tpu.memory_space<hbm>>, %arg3: memref<32x79x128xi32, #tpu.memory_space<hbm>>, %arg4: memref<32x79x128xi32, #tpu.memory_space<hbm>>, %arg5: memref<128x128xf32, #tpu.memory_space<hbm>>, %arg6: memref<2x10240x128xf32, #tpu.memory_space<hbm>>, %arg7: memref<128xi32, #tpu.memory_space<vmem>>, %arg8: memref<128xi32, #tpu.memory_space<vmem>>, %arg9: memref<128xi32, #tpu.memory_space<vmem>>, %arg10: memref<128x128xf32, #tpu.memory_space<vmem>>, %arg11: memref<128x128xf32, #tpu.memory_space<vmem>>, %arg12: memref<10240x128xf32, #tpu.memory_space<vmem_shared>>, %arg13: memref<!tpu.dma_semaphore, #tpu.memory_space<semaphore_mem>>, %arg14: memref<!tpu.dma_semaphore, #tpu.memory_space<semaphore_mem>>) attributes {dimension_semantics = [#tpu.dimension_semantics<core_parallel>, #tpu.dimension_semantics<subcore_parallel>], iteration_bounds = array<i64: 2, 16>, scalar_prefetch = 0 : i64, scratch_operands = 8 : i64, tpu.core_type = #tpu.core_type<sc_vector_subcore>, window_params = [{transform_indices = #map}, {transform_indices = #map1}, {transform_indices = #map1}, {transform_indices = #map}, {transform_indices = #map1}]} {
    %mul3A = arith.constant 16 : i32
    %mul3A_0 = arith.muli %arg0, %mul3A : i32
    %add3A = arith.addi %mul3A_0, %arg1 : i32
    %mul3A_1 = arith.constant 640 : i32
    %mul3A_2 = arith.muli %arg1, %mul3A_1 : i32
    %add3A_3 = arith.constant 0 : i32
    %add3A_4 = arith.addi %mul3A_2, %add3A_3 : i32
    "tpu.region"() ({
      %run_scoped3A_33 = tpu.sem_alloc : memref<!tpu.dma_semaphore, #tpu.memory_space<semaphore_mem>>
      %dma_start3A_34 = arith.constant 0 : i32
      %dma_start3A_35 = tpu.memref_slice %arg12[%add3A_4, %dma_start3A_34] : memref<10240x128xf32, #tpu.memory_space<vmem_shared>> -> memref<128x128xf32, #tpu.memory_space<vmem_shared>>
      tpu.enqueue_dma source(%arg5 : memref<128x128xf32, #tpu.memory_space<hbm>>) target(%dma_start3A_35 : memref<128x128xf32, #tpu.memory_space<vmem_shared>>) target_semaphore(%run_scoped3A_33 : memref<!tpu.dma_semaphore, #tpu.memory_space<semaphore_mem>>)
      %dma_wait3A = arith.constant 0 : i32
      %dma_wait3A_36 = tpu.memref_slice %arg12[%add3A_4, %dma_wait3A] : memref<10240x128xf32, #tpu.memory_space<vmem_shared>> -> memref<128x128xf32, #tpu.memory_space<vmem_shared>>
      tpu.wait_dma2 semaphore(%run_scoped3A_33 : memref<!tpu.dma_semaphore, #tpu.memory_space<semaphore_mem>>) src(%arg5 : memref<128x128xf32, #tpu.memory_space<hbm>>) dst(%dma_wait3A_36 : memref<128x128xf32, #tpu.memory_space<vmem_shared>>)
      tpu.yield
    }) : () -> ()
    %mul3A_5 = arith.constant 640 : i32
    %mul3A_6 = arith.muli %arg1, %mul3A_5 : i32
    %add3A_7 = arith.constant 128 : i32
    %add3A_8 = arith.addi %mul3A_6, %add3A_7 : i32
    "tpu.region"() ({
      %run_scoped3A_33 = tpu.sem_alloc : memref<!tpu.dma_semaphore, #tpu.memory_space<semaphore_mem>>
      %dma_start3A_34 = arith.constant 0 : i32
      %dma_start3A_35 = tpu.memref_slice %arg12[%add3A_8, %dma_start3A_34] : memref<10240x128xf32, #tpu.memory_space<vmem_shared>> -> memref<128x128xf32, #tpu.memory_space<vmem_shared>>
      tpu.enqueue_dma source(%arg5 : memref<128x128xf32, #tpu.memory_space<hbm>>) target(%dma_start3A_35 : memref<128x128xf32, #tpu.memory_space<vmem_shared>>) target_semaphore(%run_scoped3A_33 : memref<!tpu.dma_semaphore, #tpu.memory_space<semaphore_mem>>)
      %dma_wait3A = arith.constant 0 : i32
      %dma_wait3A_36 = tpu.memref_slice %arg12[%add3A_8, %dma_wait3A] : memref<10240x128xf32, #tpu.memory_space<vmem_shared>> -> memref<128x128xf32, #tpu.memory_space<vmem_shared>>
      tpu.wait_dma2 semaphore(%run_scoped3A_33 : memref<!tpu.dma_semaphore, #tpu.memory_space<semaphore_mem>>) src(%arg5 : memref<128x128xf32, #tpu.memory_space<hbm>>) dst(%dma_wait3A_36 : memref<128x128xf32, #tpu.memory_space<vmem_shared>>)
      tpu.yield
    }) : () -> ()
    %mul3A_9 = arith.constant 640 : i32
    %mul3A_10 = arith.muli %arg1, %mul3A_9 : i32
    %add3A_11 = arith.constant 256 : i32
    %add3A_12 = arith.addi %mul3A_10, %add3A_11 : i32
    "tpu.region"() ({
      %run_scoped3A_33 = tpu.sem_alloc : memref<!tpu.dma_semaphore, #tpu.memory_space<semaphore_mem>>
      %dma_start3A_34 = arith.constant 0 : i32
      %dma_start3A_35 = tpu.memref_slice %arg12[%add3A_12, %dma_start3A_34] : memref<10240x128xf32, #tpu.memory_space<vmem_shared>> -> memref<128x128xf32, #tpu.memory_space<vmem_shared>>
      tpu.enqueue_dma source(%arg5 : memref<128x128xf32, #tpu.memory_space<hbm>>) target(%dma_start3A_35 : memref<128x128xf32, #tpu.memory_space<vmem_shared>>) target_semaphore(%run_scoped3A_33 : memref<!tpu.dma_semaphore, #tpu.memory_space<semaphore_mem>>)
      %dma_wait3A = arith.constant 0 : i32
      %dma_wait3A_36 = tpu.memref_slice %arg12[%add3A_12, %dma_wait3A] : memref<10240x128xf32, #tpu.memory_space<vmem_shared>> -> memref<128x128xf32, #tpu.memory_space<vmem_shared>>
      tpu.wait_dma2 semaphore(%run_scoped3A_33 : memref<!tpu.dma_semaphore, #tpu.memory_space<semaphore_mem>>) src(%arg5 : memref<128x128xf32, #tpu.memory_space<hbm>>) dst(%dma_wait3A_36 : memref<128x128xf32, #tpu.memory_space<vmem_shared>>)
      tpu.yield
    }) : () -> ()
    %mul3A_13 = arith.constant 640 : i32
    %mul3A_14 = arith.muli %arg1, %mul3A_13 : i32
    %add3A_15 = arith.constant 384 : i32
    %add3A_16 = arith.addi %mul3A_14, %add3A_15 : i32
    "tpu.region"() ({
      %run_scoped3A_33 = tpu.sem_alloc : memref<!tpu.dma_semaphore, #tpu.memory_space<semaphore_mem>>
      %dma_start3A_34 = arith.constant 0 : i32
      %dma_start3A_35 = tpu.memref_slice %arg12[%add3A_16, %dma_start3A_34] : memref<10240x128xf32, #tpu.memory_space<vmem_shared>> -> memref<128x128xf32, #tpu.memory_space<vmem_shared>>
      tpu.enqueue_dma source(%arg5 : memref<128x128xf32, #tpu.memory_space<hbm>>) target(%dma_start3A_35 : memref<128x128xf32, #tpu.memory_space<vmem_shared>>) target_semaphore(%run_scoped3A_33 : memref<!tpu.dma_semaphore, #tpu.memory_space<semaphore_mem>>)
      %dma_wait3A = arith.constant 0 : i32
      %dma_wait3A_36 = tpu.memref_slice %arg12[%add3A_16, %dma_wait3A] : memref<10240x128xf32, #tpu.memory_space<vmem_shared>> -> memref<128x128xf32, #tpu.memory_space<vmem_shared>>
      tpu.wait_dma2 semaphore(%run_scoped3A_33 : memref<!tpu.dma_semaphore, #tpu.memory_space<semaphore_mem>>) src(%arg5 : memref<128x128xf32, #tpu.memory_space<hbm>>) dst(%dma_wait3A_36 : memref<128x128xf32, #tpu.memory_space<vmem_shared>>)
      tpu.yield
    }) : () -> ()
    %mul3A_17 = arith.constant 640 : i32
    %mul3A_18 = arith.muli %arg1, %mul3A_17 : i32
    %add3A_19 = arith.constant 512 : i32
    %add3A_20 = arith.addi %mul3A_18, %add3A_19 : i32
    "tpu.region"() ({
      %run_scoped3A_33 = tpu.sem_alloc : memref<!tpu.dma_semaphore, #tpu.memory_space<semaphore_mem>>
      %dma_start3A_34 = arith.constant 0 : i32
      %dma_start3A_35 = tpu.memref_slice %arg12[%add3A_20, %dma_start3A_34] : memref<10240x128xf32, #tpu.memory_space<vmem_shared>> -> memref<128x128xf32, #tpu.memory_space<vmem_shared>>
      tpu.enqueue_dma source(%arg5 : memref<128x128xf32, #tpu.memory_space<hbm>>) target(%dma_start3A_35 : memref<128x128xf32, #tpu.memory_space<vmem_shared>>) target_semaphore(%run_scoped3A_33 : memref<!tpu.dma_semaphore, #tpu.memory_space<semaphore_mem>>)
      %dma_wait3A = arith.constant 0 : i32
      %dma_wait3A_36 = tpu.memref_slice %arg12[%add3A_20, %dma_wait3A] : memref<10240x128xf32, #tpu.memory_space<vmem_shared>> -> memref<128x128xf32, #tpu.memory_space<vmem_shared>>
      tpu.wait_dma2 semaphore(%run_scoped3A_33 : memref<!tpu.dma_semaphore, #tpu.memory_space<semaphore_mem>>) src(%arg5 : memref<128x128xf32, #tpu.memory_space<hbm>>) dst(%dma_wait3A_36 : memref<128x128xf32, #tpu.memory_space<vmem_shared>>)
      tpu.yield
    }) : () -> ()
    %barrier3A = arith.constant 0 : index
    tpu.barrier barrier_id(%barrier3A)
    %run_scoped3A = arith.constant 0 : i32
    "tpu.region"() ({
      %run_scoped3A_33 = tpu.sem_alloc : memref<!tpu.dma_semaphore, #tpu.memory_space<semaphore_mem>>
      %dma_start3A_34 = arith.constant 0 : i32
      %dma_start3A_35 = tpu.memref_slice %arg3[%add3A, %run_scoped3A, %dma_start3A_34] : memref<32x79x128xi32, #tpu.memory_space<hbm>> -> memref<1x1x128xi32, #tpu.memory_space<hbm>>
      %dma_start3A_36 = tpu.memref_squeeze %dma_start3A_35 : memref<1x1x128xi32, #tpu.memory_space<hbm>> -> memref<128xi32, #tpu.memory_space<hbm>>
      %dma_start3A_37 = arith.constant 0 : i32
      %dma_start3A_38 = tpu.memref_slice %arg3[%add3A, %run_scoped3A, %dma_start3A_37] : memref<32x79x128xi32, #tpu.memory_space<hbm>> -> memref<1x1x128xi32, #tpu.memory_space<hbm>>
      %dma_start3A_39 = tpu.memref_squeeze %dma_start3A_38 : memref<1x1x128xi32, #tpu.memory_space<hbm>> -> memref<128xi32, #tpu.memory_space<hbm>>
      tpu.enqueue_dma source(%dma_start3A_39 : memref<128xi32, #tpu.memory_space<hbm>>) target(%arg7 : memref<128xi32, #tpu.memory_space<vmem>>) target_semaphore(%run_scoped3A_33 : memref<!tpu.dma_semaphore, #tpu.memory_space<semaphore_mem>>)
      %dma_wait3A = arith.constant 0 : i32
      %dma_wait3A_40 = tpu.memref_slice %arg3[%add3A, %run_scoped3A, %dma_wait3A] : memref<32x79x128xi32, #tpu.memory_space<hbm>> -> memref<1x1x128xi32, #tpu.memory_space<hbm>>
      %dma_wait3A_41 = tpu.memref_squeeze %dma_wait3A_40 : memref<1x1x128xi32, #tpu.memory_space<hbm>> -> memref<128xi32, #tpu.memory_space<hbm>>
      %dma_wait3A_42 = arith.constant 0 : i32
      %dma_wait3A_43 = tpu.memref_slice %arg3[%add3A, %run_scoped3A, %dma_wait3A_42] : memref<32x79x128xi32, #tpu.memory_space<hbm>> -> memref<1x1x128xi32, #tpu.memory_space<hbm>>
      %dma_wait3A_44 = tpu.memref_squeeze %dma_wait3A_43 : memref<1x1x128xi32, #tpu.memory_space<hbm>> -> memref<128xi32, #tpu.memory_space<hbm>>
      tpu.wait_dma2 semaphore(%run_scoped3A_33 : memref<!tpu.dma_semaphore, #tpu.memory_space<semaphore_mem>>) src(%dma_wait3A_44 : memref<128xi32, #tpu.memory_space<hbm>>) dst(%arg7 : memref<128xi32, #tpu.memory_space<vmem>>)
      tpu.yield
    }) : () -> ()
    %dma_start3A = arith.constant 0 : i32
    %dma_start3A_21 = arith.constant 0 : i32
    %dma_start3A_22 = tpu.memref_slice %arg2[%dma_start3A, %dma_start3A_21] : memref<10240x128xf32, #tpu.memory_space<hbm>> -> memref<10240x128xf32, #tpu.memory_space<hbm>>
    tpu.enqueue_indirect_dma source(%dma_start3A_22 : memref<10240x128xf32, #tpu.memory_space<hbm>>) target(%arg10 : memref<128x128xf32, #tpu.memory_space<vmem>>) offsets(%arg7 : memref<128xi32, #tpu.memory_space<vmem>>) semaphore(%arg13 : memref<!tpu.dma_semaphore, #tpu.memory_space<semaphore_mem>>)
    %scan3A = arith.constant 0 : i32
    %scan3A_23 = arith.constant 0 : i32
    %scan3A_24 = arith.constant 79 : i32
    %scan3A_25 = arith.addi %scan3A_23, %scan3A_24 : i32
    %scan3A_26 = arith.constant 1 : i32
    scf.for %scan3A_33 = %scan3A_23 to %scan3A_25 step %scan3A_26  : i32 {
      %jit3A = arith.constant 2 : i32
      %eq3A = arith.constant 0 : i32
      %eq3A_34 = arith.cmpi eq, %jit3A, %eq3A : i32
      %jit3A_35 = arith.constant 1 : i32
      %select_n3A = arith.select %eq3A_34, %jit3A_35, %jit3A : i32
      %rem3A = arith.remsi %scan3A_33, %select_n3A : i32
      %ne3A = arith.constant 0 : i32
      %ne3A_36 = arith.cmpi ne, %rem3A, %ne3A : i32
      %lt3A = arith.constant 0 : i32
      %lt3A_37 = arith.cmpi slt, %rem3A, %lt3A : i32
      %lt3A_38 = arith.constant 0 : i32
      %lt3A_39 = arith.cmpi slt, %select_n3A, %lt3A_38 : i32
      %ne3A_40 = arith.xori %lt3A_37, %lt3A_39 : i1
      %and3A = arith.andi %ne3A_40, %ne3A_36 : i1
      %add3A_41 = arith.addi %rem3A, %select_n3A : i32
      %select_n3A_42 = arith.select %and3A, %add3A_41, %rem3A : i32
      %eq3A_43 = arith.constant 0 : i32
      %eq3A_44 = arith.cmpi eq, %select_n3A_42, %eq3A_43 : i32
      %convert_element_type3A = arith.extui %eq3A_44 : i1 to i32
      %cond3A = arith.constant 0 : i32
      %cond3A_45 = arith.cmpi ne, %convert_element_type3A, %cond3A : i32
      scf.if %cond3A_45 {
        %add3A_67 = arith.constant 1 : i32
        %add3A_68 = arith.addi %scan3A_33, %add3A_67 : i32
        %lt3A_69 = arith.constant 79 : i32
        %lt3A_70 = arith.cmpi slt, %add3A_68, %lt3A_69 : i32
        %convert_element_type3A_71 = arith.extui %lt3A_70 : i1 to i32
        %cond3A_72 = arith.constant 0 : i32
        %cond3A_73 = arith.cmpi ne, %convert_element_type3A_71, %cond3A_72 : i32
        scf.if %cond3A_73 {
          %add3A_76 = arith.constant 1 : i32
          %add3A_77 = arith.addi %scan3A_33, %add3A_76 : i32
          "tpu.region"() ({
            %run_scoped3A_81 = tpu.sem_alloc : memref<!tpu.dma_semaphore, #tpu.memory_space<semaphore_mem>>
            %dma_start3A_82 = arith.constant 0 : i32
            %dma_start3A_83 = tpu.memref_slice %arg3[%add3A, %add3A_77, %dma_start3A_82] : memref<32x79x128xi32, #tpu.memory_space<hbm>> -> memref<1x1x128xi32, #tpu.memory_space<hbm>>
            %dma_start3A_84 = tpu.memref_squeeze %dma_start3A_83 : memref<1x1x128xi32, #tpu.memory_space<hbm>> -> memref<128xi32, #tpu.memory_space<hbm>>
            %dma_start3A_85 = arith.constant 0 : i32
            %dma_start3A_86 = tpu.memref_slice %arg3[%add3A, %add3A_77, %dma_start3A_85] : memref<32x79x128xi32, #tpu.memory_space<hbm>> -> memref<1x1x128xi32, #tpu.memory_space<hbm>>
            %dma_start3A_87 = tpu.memref_squeeze %dma_start3A_86 : memref<1x1x128xi32, #tpu.memory_space<hbm>> -> memref<128xi32, #tpu.memory_space<hbm>>
            tpu.enqueue_dma source(%dma_start3A_87 : memref<128xi32, #tpu.memory_space<hbm>>) target(%arg8 : memref<128xi32, #tpu.memory_space<vmem>>) target_semaphore(%run_scoped3A_81 : memref<!tpu.dma_semaphore, #tpu.memory_space<semaphore_mem>>)
            %dma_wait3A_88 = arith.constant 0 : i32
            %dma_wait3A_89 = tpu.memref_slice %arg3[%add3A, %add3A_77, %dma_wait3A_88] : memref<32x79x128xi32, #tpu.memory_space<hbm>> -> memref<1x1x128xi32, #tpu.memory_space<hbm>>
            %dma_wait3A_90 = tpu.memref_squeeze %dma_wait3A_89 : memref<1x1x128xi32, #tpu.memory_space<hbm>> -> memref<128xi32, #tpu.memory_space<hbm>>
            %dma_wait3A_91 = arith.constant 0 : i32
            %dma_wait3A_92 = tpu.memref_slice %arg3[%add3A, %add3A_77, %dma_wait3A_91] : memref<32x79x128xi32, #tpu.memory_space<hbm>> -> memref<1x1x128xi32, #tpu.memory_space<hbm>>
            %dma_wait3A_93 = tpu.memref_squeeze %dma_wait3A_92 : memref<1x1x128xi32, #tpu.memory_space<hbm>> -> memref<128xi32, #tpu.memory_space<hbm>>
            tpu.wait_dma2 semaphore(%run_scoped3A_81 : memref<!tpu.dma_semaphore, #tpu.memory_space<semaphore_mem>>) src(%dma_wait3A_93 : memref<128xi32, #tpu.memory_space<hbm>>) dst(%arg8 : memref<128xi32, #tpu.memory_space<vmem>>)
            tpu.yield
          }) : () -> ()
          %dma_start3A_78 = arith.constant 0 : i32
          %dma_start3A_79 = arith.constant 0 : i32
          %dma_start3A_80 = tpu.memref_slice %arg2[%dma_start3A_78, %dma_start3A_79] : memref<10240x128xf32, #tpu.memory_space<hbm>> -> memref<10240x128xf32, #tpu.memory_space<hbm>>
          tpu.enqueue_indirect_dma source(%dma_start3A_80 : memref<10240x128xf32, #tpu.memory_space<hbm>>) target(%arg11 : memref<128x128xf32, #tpu.memory_space<vmem>>) offsets(%arg8 : memref<128xi32, #tpu.memory_space<vmem>>) semaphore(%arg14 : memref<!tpu.dma_semaphore, #tpu.memory_space<semaphore_mem>>)
        } else {
        }
        %dma_wait3A = arith.constant 0 : i32
        %dma_wait3A_74 = arith.constant 0 : i32
        %dma_wait3A_75 = tpu.memref_slice %arg2[%dma_wait3A, %dma_wait3A_74] : memref<10240x128xf32, #tpu.memory_space<hbm>> -> memref<10240x128xf32, #tpu.memory_space<hbm>>
        tpu.wait_indirect_dma semaphore(%arg13 : memref<!tpu.dma_semaphore, #tpu.memory_space<semaphore_mem>>) src(%dma_wait3A_75 : memref<10240x128xf32, #tpu.memory_space<hbm>>) dst(%arg10 : memref<128x128xf32, #tpu.memory_space<vmem>>)
        "tpu.region"() ({
          %run_scoped3A_76 = tpu.sem_alloc : memref<!tpu.dma_semaphore, #tpu.memory_space<semaphore_mem>>
          %dma_start3A_77 = arith.constant 0 : i32
          %dma_start3A_78 = tpu.memref_slice %arg4[%add3A, %scan3A_33, %dma_start3A_77] : memref<32x79x128xi32, #tpu.memory_space<hbm>> -> memref<1x1x128xi32, #tpu.memory_space<hbm>>
          %dma_start3A_79 = tpu.memref_squeeze %dma_start3A_78 : memref<1x1x128xi32, #tpu.memory_space<hbm>> -> memref<128xi32, #tpu.memory_space<hbm>>
          %dma_start3A_80 = arith.constant 0 : i32
          %dma_start3A_81 = tpu.memref_slice %arg4[%add3A, %scan3A_33, %dma_start3A_80] : memref<32x79x128xi32, #tpu.memory_space<hbm>> -> memref<1x1x128xi32, #tpu.memory_space<hbm>>
          %dma_start3A_82 = tpu.memref_squeeze %dma_start3A_81 : memref<1x1x128xi32, #tpu.memory_space<hbm>> -> memref<128xi32, #tpu.memory_space<hbm>>
          tpu.enqueue_dma source(%dma_start3A_82 : memref<128xi32, #tpu.memory_space<hbm>>) target(%arg9 : memref<128xi32, #tpu.memory_space<vmem>>) target_semaphore(%run_scoped3A_76 : memref<!tpu.dma_semaphore, #tpu.memory_space<semaphore_mem>>)
          %dma_wait3A_83 = arith.constant 0 : i32
          %dma_wait3A_84 = tpu.memref_slice %arg4[%add3A, %scan3A_33, %dma_wait3A_83] : memref<32x79x128xi32, #tpu.memory_space<hbm>> -> memref<1x1x128xi32, #tpu.memory_space<hbm>>
          %dma_wait3A_85 = tpu.memref_squeeze %dma_wait3A_84 : memref<1x1x128xi32, #tpu.memory_space<hbm>> -> memref<128xi32, #tpu.memory_space<hbm>>
          %dma_wait3A_86 = arith.constant 0 : i32
          %dma_wait3A_87 = tpu.memref_slice %arg4[%add3A, %scan3A_33, %dma_wait3A_86] : memref<32x79x128xi32, #tpu.memory_space<hbm>> -> memref<1x1x128xi32, #tpu.memory_space<hbm>>
          %dma_wait3A_88 = tpu.memref_squeeze %dma_wait3A_87 : memref<1x1x128xi32, #tpu.memory_space<hbm>> -> memref<128xi32, #tpu.memory_space<hbm>>
          tpu.wait_dma2 semaphore(%run_scoped3A_76 : memref<!tpu.dma_semaphore, #tpu.memory_space<semaphore_mem>>) src(%dma_wait3A_88 : memref<128xi32, #tpu.memory_space<hbm>>) dst(%arg9 : memref<128xi32, #tpu.memory_space<vmem>>)
          tpu.yield
        }) : () -> ()
        "tpu.region"() ({
          %run_scoped3A_76 = tpu.sem_alloc : memref<!tpu.dma_semaphore, #tpu.memory_space<semaphore_mem>>
          %dma_start3A_77 = arith.constant 0 : i32
          %dma_start3A_78 = arith.constant 0 : i32
          %dma_start3A_79 = tpu.memref_slice %arg12[%dma_start3A_77, %dma_start3A_78] : memref<10240x128xf32, #tpu.memory_space<vmem_shared>> -> memref<10240x128xf32, #tpu.memory_space<vmem_shared>>
          tpu.enqueue_indirect_dma source(%arg10 : memref<128x128xf32, #tpu.memory_space<vmem>>) target(%dma_start3A_79 : memref<10240x128xf32, #tpu.memory_space<vmem_shared>>) offsets(%arg9 : memref<128xi32, #tpu.memory_space<vmem>>) semaphore(%run_scoped3A_76 : memref<!tpu.dma_semaphore, #tpu.memory_space<semaphore_mem>>) {add = true}
          %dma_wait3A_80 = arith.constant 0 : i32
          %dma_wait3A_81 = arith.constant 0 : i32
          %dma_wait3A_82 = tpu.memref_slice %arg12[%dma_wait3A_80, %dma_wait3A_81] : memref<10240x128xf32, #tpu.memory_space<vmem_shared>> -> memref<10240x128xf32, #tpu.memory_space<vmem_shared>>
          tpu.wait_indirect_dma semaphore(%run_scoped3A_76 : memref<!tpu.dma_semaphore, #tpu.memory_space<semaphore_mem>>) src(%arg10 : memref<128x128xf32, #tpu.memory_space<vmem>>) dst(%dma_wait3A_82 : memref<10240x128xf32, #tpu.memory_space<vmem_shared>>)
          tpu.yield
        }) : () -> ()
      } else {
      }
      %jit3A_46 = arith.constant 2 : i32
      %eq3A_47 = arith.constant 0 : i32
      %eq3A_48 = arith.cmpi eq, %jit3A_46, %eq3A_47 : i32
      %jit3A_49 = arith.constant 1 : i32
      %select_n3A_50 = arith.select %eq3A_48, %jit3A_49, %jit3A_46 : i32
      %rem3A_51 = arith.remsi %scan3A_33, %select_n3A_50 : i32
      %ne3A_52 = arith.constant 0 : i32
      %ne3A_53 = arith.cmpi ne, %rem3A_51, %ne3A_52 : i32
      %lt3A_54 = arith.constant 0 : i32
      %lt3A_55 = arith.cmpi slt, %rem3A_51, %lt3A_54 : i32
      %lt3A_56 = arith.constant 0 : i32
      %lt3A_57 = arith.cmpi slt, %select_n3A_50, %lt3A_56 : i32
      %ne3A_58 = arith.xori %lt3A_55, %lt3A_57 : i1
      %and3A_59 = arith.andi %ne3A_58, %ne3A_53 : i1
      %add3A_60 = arith.addi %rem3A_51, %select_n3A_50 : i32
      %select_n3A_61 = arith.select %and3A_59, %add3A_60, %rem3A_51 : i32
      %eq3A_62 = arith.constant 1 : i32
      %eq3A_63 = arith.cmpi eq, %select_n3A_61, %eq3A_62 : i32
      %convert_element_type3A_64 = arith.extui %eq3A_63 : i1 to i32
      %cond3A_65 = arith.constant 0 : i32
      %cond3A_66 = arith.cmpi ne, %convert_element_type3A_64, %cond3A_65 : i32
      scf.if %cond3A_66 {
        %add3A_67 = arith.constant 1 : i32
        %add3A_68 = arith.addi %scan3A_33, %add3A_67 : i32
        %lt3A_69 = arith.constant 79 : i32
        %lt3A_70 = arith.cmpi slt, %add3A_68, %lt3A_69 : i32
        %convert_element_type3A_71 = arith.extui %lt3A_70 : i1 to i32
        %cond3A_72 = arith.constant 0 : i32
        %cond3A_73 = arith.cmpi ne, %convert_element_type3A_71, %cond3A_72 : i32
        scf.if %cond3A_73 {
          %add3A_76 = arith.constant 1 : i32
          %add3A_77 = arith.addi %scan3A_33, %add3A_76 : i32
          "tpu.region"() ({
            %run_scoped3A_81 = tpu.sem_alloc : memref<!tpu.dma_semaphore, #tpu.memory_space<semaphore_mem>>
            %dma_start3A_82 = arith.constant 0 : i32
            %dma_start3A_83 = tpu.memref_slice %arg3[%add3A, %add3A_77, %dma_start3A_82] : memref<32x79x128xi32, #tpu.memory_space<hbm>> -> memref<1x1x128xi32, #tpu.memory_space<hbm>>
            %dma_start3A_84 = tpu.memref_squeeze %dma_start3A_83 : memref<1x1x128xi32, #tpu.memory_space<hbm>> -> memref<128xi32, #tpu.memory_space<hbm>>
            %dma_start3A_85 = arith.constant 0 : i32
            %dma_start3A_86 = tpu.memref_slice %arg3[%add3A, %add3A_77, %dma_start3A_85] : memref<32x79x128xi32, #tpu.memory_space<hbm>> -> memref<1x1x128xi32, #tpu.memory_space<hbm>>
            %dma_start3A_87 = tpu.memref_squeeze %dma_start3A_86 : memref<1x1x128xi32, #tpu.memory_space<hbm>> -> memref<128xi32, #tpu.memory_space<hbm>>
            tpu.enqueue_dma source(%dma_start3A_87 : memref<128xi32, #tpu.memory_space<hbm>>) target(%arg7 : memref<128xi32, #tpu.memory_space<vmem>>) target_semaphore(%run_scoped3A_81 : memref<!tpu.dma_semaphore, #tpu.memory_space<semaphore_mem>>)
            %dma_wait3A_88 = arith.constant 0 : i32
            %dma_wait3A_89 = tpu.memref_slice %arg3[%add3A, %add3A_77, %dma_wait3A_88] : memref<32x79x128xi32, #tpu.memory_space<hbm>> -> memref<1x1x128xi32, #tpu.memory_space<hbm>>
            %dma_wait3A_90 = tpu.memref_squeeze %dma_wait3A_89 : memref<1x1x128xi32, #tpu.memory_space<hbm>> -> memref<128xi32, #tpu.memory_space<hbm>>
            %dma_wait3A_91 = arith.constant 0 : i32
            %dma_wait3A_92 = tpu.memref_slice %arg3[%add3A, %add3A_77, %dma_wait3A_91] : memref<32x79x128xi32, #tpu.memory_space<hbm>> -> memref<1x1x128xi32, #tpu.memory_space<hbm>>
            %dma_wait3A_93 = tpu.memref_squeeze %dma_wait3A_92 : memref<1x1x128xi32, #tpu.memory_space<hbm>> -> memref<128xi32, #tpu.memory_space<hbm>>
            tpu.wait_dma2 semaphore(%run_scoped3A_81 : memref<!tpu.dma_semaphore, #tpu.memory_space<semaphore_mem>>) src(%dma_wait3A_93 : memref<128xi32, #tpu.memory_space<hbm>>) dst(%arg7 : memref<128xi32, #tpu.memory_space<vmem>>)
            tpu.yield
          }) : () -> ()
          %dma_start3A_78 = arith.constant 0 : i32
          %dma_start3A_79 = arith.constant 0 : i32
          %dma_start3A_80 = tpu.memref_slice %arg2[%dma_start3A_78, %dma_start3A_79] : memref<10240x128xf32, #tpu.memory_space<hbm>> -> memref<10240x128xf32, #tpu.memory_space<hbm>>
          tpu.enqueue_indirect_dma source(%dma_start3A_80 : memref<10240x128xf32, #tpu.memory_space<hbm>>) target(%arg10 : memref<128x128xf32, #tpu.memory_space<vmem>>) offsets(%arg7 : memref<128xi32, #tpu.memory_space<vmem>>) semaphore(%arg13 : memref<!tpu.dma_semaphore, #tpu.memory_space<semaphore_mem>>)
        } else {
        }
        %dma_wait3A = arith.constant 0 : i32
        %dma_wait3A_74 = arith.constant 0 : i32
        %dma_wait3A_75 = tpu.memref_slice %arg2[%dma_wait3A, %dma_wait3A_74] : memref<10240x128xf32, #tpu.memory_space<hbm>> -> memref<10240x128xf32, #tpu.memory_space<hbm>>
        tpu.wait_indirect_dma semaphore(%arg14 : memref<!tpu.dma_semaphore, #tpu.memory_space<semaphore_mem>>) src(%dma_wait3A_75 : memref<10240x128xf32, #tpu.memory_space<hbm>>) dst(%arg11 : memref<128x128xf32, #tpu.memory_space<vmem>>)
        "tpu.region"() ({
          %run_scoped3A_76 = tpu.sem_alloc : memref<!tpu.dma_semaphore, #tpu.memory_space<semaphore_mem>>
          %dma_start3A_77 = arith.constant 0 : i32
          %dma_start3A_78 = tpu.memref_slice %arg4[%add3A, %scan3A_33, %dma_start3A_77] : memref<32x79x128xi32, #tpu.memory_space<hbm>> -> memref<1x1x128xi32, #tpu.memory_space<hbm>>
          %dma_start3A_79 = tpu.memref_squeeze %dma_start3A_78 : memref<1x1x128xi32, #tpu.memory_space<hbm>> -> memref<128xi32, #tpu.memory_space<hbm>>
          %dma_start3A_80 = arith.constant 0 : i32
          %dma_start3A_81 = tpu.memref_slice %arg4[%add3A, %scan3A_33, %dma_start3A_80] : memref<32x79x128xi32, #tpu.memory_space<hbm>> -> memref<1x1x128xi32, #tpu.memory_space<hbm>>
          %dma_start3A_82 = tpu.memref_squeeze %dma_start3A_81 : memref<1x1x128xi32, #tpu.memory_space<hbm>> -> memref<128xi32, #tpu.memory_space<hbm>>
          tpu.enqueue_dma source(%dma_start3A_82 : memref<128xi32, #tpu.memory_space<hbm>>) target(%arg9 : memref<128xi32, #tpu.memory_space<vmem>>) target_semaphore(%run_scoped3A_76 : memref<!tpu.dma_semaphore, #tpu.memory_space<semaphore_mem>>)
          %dma_wait3A_83 = arith.constant 0 : i32
          %dma_wait3A_84 = tpu.memref_slice %arg4[%add3A, %scan3A_33, %dma_wait3A_83] : memref<32x79x128xi32, #tpu.memory_space<hbm>> -> memref<1x1x128xi32, #tpu.memory_space<hbm>>
          %dma_wait3A_85 = tpu.memref_squeeze %dma_wait3A_84 : memref<1x1x128xi32, #tpu.memory_space<hbm>> -> memref<128xi32, #tpu.memory_space<hbm>>
          %dma_wait3A_86 = arith.constant 0 : i32
          %dma_wait3A_87 = tpu.memref_slice %arg4[%add3A, %scan3A_33, %dma_wait3A_86] : memref<32x79x128xi32, #tpu.memory_space<hbm>> -> memref<1x1x128xi32, #tpu.memory_space<hbm>>
          %dma_wait3A_88 = tpu.memref_squeeze %dma_wait3A_87 : memref<1x1x128xi32, #tpu.memory_space<hbm>> -> memref<128xi32, #tpu.memory_space<hbm>>
          tpu.wait_dma2 semaphore(%run_scoped3A_76 : memref<!tpu.dma_semaphore, #tpu.memory_space<semaphore_mem>>) src(%dma_wait3A_88 : memref<128xi32, #tpu.memory_space<hbm>>) dst(%arg9 : memref<128xi32, #tpu.memory_space<vmem>>)
          tpu.yield
        }) : () -> ()
        "tpu.region"() ({
          %run_scoped3A_76 = tpu.sem_alloc : memref<!tpu.dma_semaphore, #tpu.memory_space<semaphore_mem>>
          %dma_start3A_77 = arith.constant 0 : i32
          %dma_start3A_78 = arith.constant 0 : i32
          %dma_start3A_79 = tpu.memref_slice %arg12[%dma_start3A_77, %dma_start3A_78] : memref<10240x128xf32, #tpu.memory_space<vmem_shared>> -> memref<10240x128xf32, #tpu.memory_space<vmem_shared>>
          tpu.enqueue_indirect_dma source(%arg11 : memref<128x128xf32, #tpu.memory_space<vmem>>) target(%dma_start3A_79 : memref<10240x128xf32, #tpu.memory_space<vmem_shared>>) offsets(%arg9 : memref<128xi32, #tpu.memory_space<vmem>>) semaphore(%run_scoped3A_76 : memref<!tpu.dma_semaphore, #tpu.memory_space<semaphore_mem>>) {add = true}
          %dma_wait3A_80 = arith.constant 0 : i32
          %dma_wait3A_81 = arith.constant 0 : i32
          %dma_wait3A_82 = tpu.memref_slice %arg12[%dma_wait3A_80, %dma_wait3A_81] : memref<10240x128xf32, #tpu.memory_space<vmem_shared>> -> memref<10240x128xf32, #tpu.memory_space<vmem_shared>>
          tpu.wait_indirect_dma semaphore(%run_scoped3A_76 : memref<!tpu.dma_semaphore, #tpu.memory_space<semaphore_mem>>) src(%arg11 : memref<128x128xf32, #tpu.memory_space<vmem>>) dst(%dma_wait3A_82 : memref<10240x128xf32, #tpu.memory_space<vmem_shared>>)
          tpu.yield
        }) : () -> ()
      } else {
      }
    }
    %scan3A_27 = arith.constant 79 : i32
    %barrier3A_28 = arith.constant 0 : index
    tpu.barrier barrier_id(%barrier3A_28)
    %mul3A_29 = arith.constant 640 : i32
    %mul3A_30 = arith.muli %arg1, %mul3A_29 : i32
    %mul3A_31 = arith.constant 640 : i32
    %mul3A_32 = arith.muli %arg1, %mul3A_31 : i32
    "tpu.region"() ({
      %run_scoped3A_33 = tpu.sem_alloc : memref<!tpu.dma_semaphore, #tpu.memory_space<semaphore_mem>>
      %dma_start3A_34 = arith.constant 0 : i32
      %dma_start3A_35 = tpu.memref_slice %arg6[%arg0, %mul3A_32, %dma_start3A_34] : memref<2x10240x128xf32, #tpu.memory_space<hbm>> -> memref<1x640x128xf32, #tpu.memory_space<hbm>>
      %dma_start3A_36 = tpu.memref_squeeze %dma_start3A_35 : memref<1x640x128xf32, #tpu.memory_space<hbm>> -> memref<640x128xf32, #tpu.memory_space<hbm>>
      %dma_start3A_37 = arith.constant 0 : i32
      %dma_start3A_38 = tpu.memref_slice %arg12[%mul3A_30, %dma_start3A_37] : memref<10240x128xf32, #tpu.memory_space<vmem_shared>> -> memref<640x128xf32, #tpu.memory_space<vmem_shared>>
      tpu.enqueue_dma source(%dma_start3A_38 : memref<640x128xf32, #tpu.memory_space<vmem_shared>>) target(%dma_start3A_36 : memref<640x128xf32, #tpu.memory_space<hbm>>) target_semaphore(%run_scoped3A_33 : memref<!tpu.dma_semaphore, #tpu.memory_space<semaphore_mem>>)
      %dma_wait3A = arith.constant 0 : i32
      %dma_wait3A_39 = tpu.memref_slice %arg6[%arg0, %mul3A_32, %dma_wait3A] : memref<2x10240x128xf32, #tpu.memory_space<hbm>> -> memref<1x640x128xf32, #tpu.memory_space<hbm>>
      %dma_wait3A_40 = tpu.memref_squeeze %dma_wait3A_39 : memref<1x640x128xf32, #tpu.memory_space<hbm>> -> memref<640x128xf32, #tpu.memory_space<hbm>>
      %dma_wait3A_41 = arith.constant 0 : i32
      %dma_wait3A_42 = tpu.memref_slice %arg12[%mul3A_30, %dma_wait3A_41] : memref<10240x128xf32, #tpu.memory_space<vmem_shared>> -> memref<640x128xf32, #tpu.memory_space<vmem_shared>>
      tpu.wait_dma2 semaphore(%run_scoped3A_33 : memref<!tpu.dma_semaphore, #tpu.memory_space<semaphore_mem>>) src(%dma_wait3A_42 : memref<640x128xf32, #tpu.memory_space<vmem_shared>>) dst(%dma_wait3A_40 : memref<640x128xf32, #tpu.memory_space<hbm>>)
      tpu.yield
    }) : () -> ()
    return
  }
}

module attributes {stable_mosaic.version = 14 : i64} {
  func.func @_mm1_body(%arg0: i32, %arg1: memref<512x128xf32, #tpu.memory_space<vmem>>, %arg2: memref<128x128xf32, #tpu.memory_space<vmem>>, %arg3: memref<512x1xf32, #tpu.memory_space<vmem>>, %arg4: memref<512x1xf32, #tpu.memory_space<vmem>>, %arg5: memref<512x128xf32, #tpu.memory_space<vmem>>) attributes {dimension_semantics = [#tpu.dimension_semantics<arbitrary>], iteration_bounds = array<i64: 20>, scalar_prefetch = 0 : i64, scratch_operands = 0 : i64, tpu.core_type = #tpu.core_type<tc>, window_params = [{transform_indices = @transform_0, window_bounds = array<i64: 512, 128>}, {pipeline_mode = #tpu.pipeline_mode<synchronous>, transform_indices = @transform_1, window_bounds = array<i64: 128, 128>}, {transform_indices = @transform_2, window_bounds = array<i64: 512, 1>}, {transform_indices = @transform_3, window_bounds = array<i64: 512, 1>}, {transform_indices = @transform_4, window_bounds = array<i64: 512, 128>}]} {
    %get3A = arith.constant 0 : index
    %get3A_0 = arith.constant 0 : index
    %get3A_1 = vector.load %arg3[%get3A, %get3A_0] : memref<512x1xf32, #tpu.memory_space<vmem>>, vector<512x1xf32>
    %get3A_2 = arith.constant 0 : index
    %get3A_3 = arith.constant 0 : index
    %get3A_4 = vector.load %arg4[%get3A_2, %get3A_3] : memref<512x1xf32, #tpu.memory_space<vmem>>, vector<512x1xf32>
    %add3A = arith.addf %get3A_1, %get3A_4 : vector<512x1xf32>
    %add3A_5 = arith.constant 1.000000e+00 : f32
    %add3A_6 = vector.broadcast %add3A_5 : f32 to vector<512x1xf32>
    %add3A_7 = arith.addf %add3A, %add3A_6 : vector<512x1xf32>
    %rsqrt3A = math.rsqrt %add3A_7 : vector<512x1xf32>
    %get3A_8 = arith.constant 0 : index
    %get3A_9 = arith.constant 0 : index
    %get3A_10 = vector.load %arg1[%get3A_8, %get3A_9] : memref<512x128xf32, #tpu.memory_space<vmem>>, vector<512x128xf32>
    %get3A_11 = arith.constant 0 : index
    %get3A_12 = arith.constant 0 : index
    %get3A_13 = vector.load %arg2[%get3A_11, %get3A_12] : memref<128x128xf32, #tpu.memory_space<vmem>>, vector<128x128xf32>
    %dot_general3A = arith.constant dense<0.000000e+00> : vector<512x128xf32>
    %dot_general3A_14 = tpu.matmul %get3A_10, %get3A_13, %dot_general3A {dimension_numbers = #tpu.dot_dimension_numbers<[1], [0], [0], [1], [0, 0, 1, 1], [], []>, transpose_lhs_hint = false} : vector<512x128xf32>, vector<128x128xf32>, vector<512x128xf32> -> vector<512x128xf32>
    %mul3A = vector.broadcast %rsqrt3A : vector<512x1xf32> to vector<512x128xf32>
    %mul3A_15 = arith.mulf %mul3A, %dot_general3A_14 : vector<512x128xf32>
    %swap3A = arith.constant 0 : index
    %swap3A_16 = arith.constant 0 : index
    %swap3A_17 = vector.load %arg5[%swap3A, %swap3A_16] : memref<512x128xf32, #tpu.memory_space<vmem>>, vector<512x128xf32>
    tpu.vector_store %arg5[%swap3A, %swap3A_16], %mul3A_15 {strides = array<i32>} : memref<512x128xf32, #tpu.memory_space<vmem>>, vector<512x128xf32>,
    return
  }
  func.func @transform_0(%arg0: i32) -> (i32, i32) {
    %c0_i32 = arith.constant 0 : i32
    %c0_i32_0 = arith.constant 0 : i32
    return %arg0, %c0_i32 : i32, i32
  }
  func.func @transform_1(%arg0: i32) -> (i32, i32) {
    %c0_i32 = arith.constant 0 : i32
    %c0_i32_0 = arith.constant 0 : i32
    %c0_i32_1 = arith.constant 0 : i32
    return %c0_i32, %c0_i32_0 : i32, i32
  }
  func.func @transform_2(%arg0: i32) -> (i32, i32) {
    %c0_i32 = arith.constant 0 : i32
    %c0_i32_0 = arith.constant 0 : i32
    return %arg0, %c0_i32 : i32, i32
  }
  func.func @transform_3(%arg0: i32) -> (i32, i32) {
    %c0_i32 = arith.constant 0 : i32
    %c0_i32_0 = arith.constant 0 : i32
    return %arg0, %c0_i32 : i32, i32
  }
  func.func @transform_4(%arg0: i32) -> (i32, i32) {
    %c0_i32 = arith.constant 0 : i32
    %c0_i32_0 = arith.constant 0 : i32
    return %arg0, %c0_i32 : i32, i32
  }
}

module attributes {stable_mosaic.version = 14 : i64} {
  func.func @_mm2_body(%arg0: i32, %arg1: memref<512x128xf32, #tpu.memory_space<vmem>>, %arg2: memref<512x128xf32, #tpu.memory_space<vmem>>, %arg3: memref<512x128xf32, #tpu.memory_space<vmem>>, %arg4: memref<128x128xf32, #tpu.memory_space<vmem>>, %arg5: memref<512x1xf32, #tpu.memory_space<vmem>>, %arg6: memref<512x1xf32, #tpu.memory_space<vmem>>, %arg7: memref<512x128xf32, #tpu.memory_space<vmem>>) attributes {dimension_semantics = [#tpu.dimension_semantics<arbitrary>], iteration_bounds = array<i64: 20>, scalar_prefetch = 0 : i64, scratch_operands = 0 : i64, tpu.core_type = #tpu.core_type<tc>, window_params = [{transform_indices = @transform_0, window_bounds = array<i64: 512, 128>}, {transform_indices = @transform_1, window_bounds = array<i64: 512, 128>}, {transform_indices = @transform_2, window_bounds = array<i64: 512, 128>}, {pipeline_mode = #tpu.pipeline_mode<synchronous>, transform_indices = @transform_3, window_bounds = array<i64: 128, 128>}, {transform_indices = @transform_4, window_bounds = array<i64: 512, 1>}, {transform_indices = @transform_5, window_bounds = array<i64: 512, 1>}, {transform_indices = @transform_6, window_bounds = array<i64: 512, 128>}]} {
    %get3A = arith.constant 0 : index
    %get3A_0 = arith.constant 0 : index
    %get3A_1 = vector.load %arg5[%get3A, %get3A_0] : memref<512x1xf32, #tpu.memory_space<vmem>>, vector<512x1xf32>
    %get3A_2 = arith.constant 0 : index
    %get3A_3 = arith.constant 0 : index
    %get3A_4 = vector.load %arg6[%get3A_2, %get3A_3] : memref<512x1xf32, #tpu.memory_space<vmem>>, vector<512x1xf32>
    %add3A = arith.addf %get3A_1, %get3A_4 : vector<512x1xf32>
    %add3A_5 = arith.constant 1.000000e+00 : f32
    %add3A_6 = vector.broadcast %add3A_5 : f32 to vector<512x1xf32>
    %add3A_7 = arith.addf %add3A, %add3A_6 : vector<512x1xf32>
    %rsqrt3A = math.rsqrt %add3A_7 : vector<512x1xf32>
    %get3A_8 = arith.constant 0 : index
    %get3A_9 = arith.constant 0 : index
    %get3A_10 = vector.load %arg1[%get3A_8, %get3A_9] : memref<512x128xf32, #tpu.memory_space<vmem>>, vector<512x128xf32>
    %get3A_11 = arith.constant 0 : index
    %get3A_12 = arith.constant 0 : index
    %get3A_13 = vector.load %arg2[%get3A_11, %get3A_12] : memref<512x128xf32, #tpu.memory_space<vmem>>, vector<512x128xf32>
    %add3A_14 = arith.addf %get3A_10, %get3A_13 : vector<512x128xf32>
    %get3A_15 = arith.constant 0 : index
    %get3A_16 = arith.constant 0 : index
    %get3A_17 = vector.load %arg3[%get3A_15, %get3A_16] : memref<512x128xf32, #tpu.memory_space<vmem>>, vector<512x128xf32>
    %add3A_18 = arith.addf %add3A_14, %get3A_17 : vector<512x128xf32>
    %mul3A = vector.broadcast %rsqrt3A : vector<512x1xf32> to vector<512x128xf32>
    %mul3A_19 = arith.mulf %mul3A, %add3A_18 : vector<512x128xf32>
    %gt3A = arith.constant 0.000000e+00 : f32
    %gt3A_20 = vector.broadcast %gt3A : f32 to vector<512x128xf32>
    %gt3A_21 = arith.cmpf ogt, %mul3A_19, %gt3A_20 : vector<512x128xf32>
    %exp3A = math.exp %mul3A_19 : vector<512x128xf32>
    %sub3A = arith.constant 1.000000e+00 : f32
    %sub3A_22 = vector.broadcast %sub3A : f32 to vector<512x128xf32>
    %sub3A_23 = arith.subf %exp3A, %sub3A_22 : vector<512x128xf32>
    %select_n3A = arith.select %gt3A_21, %mul3A_19, %sub3A_23 : vector<512x128xi1>, vector<512x128xf32>
    %get3A_24 = arith.constant 0 : index
    %get3A_25 = arith.constant 0 : index
    %get3A_26 = vector.load %arg4[%get3A_24, %get3A_25] : memref<128x128xf32, #tpu.memory_space<vmem>>, vector<128x128xf32>
    %dot_general3A = arith.constant dense<0.000000e+00> : vector<512x128xf32>
    %dot_general3A_27 = tpu.matmul %select_n3A, %get3A_26, %dot_general3A {dimension_numbers = #tpu.dot_dimension_numbers<[1], [0], [0], [1], [0, 0, 1, 1], [], []>, transpose_lhs_hint = false} : vector<512x128xf32>, vector<128x128xf32>, vector<512x128xf32> -> vector<512x128xf32>
    %mul3A_28 = vector.broadcast %rsqrt3A : vector<512x1xf32> to vector<512x128xf32>
    %mul3A_29 = arith.mulf %mul3A_28, %dot_general3A_27 : vector<512x128xf32>
    %swap3A = arith.constant 0 : index
    %swap3A_30 = arith.constant 0 : index
    %swap3A_31 = vector.load %arg7[%swap3A, %swap3A_30] : memref<512x128xf32, #tpu.memory_space<vmem>>, vector<512x128xf32>
    tpu.vector_store %arg7[%swap3A, %swap3A_30], %mul3A_29 {strides = array<i32>} : memref<512x128xf32, #tpu.memory_space<vmem>>, vector<512x128xf32>,
    return
  }
  func.func @transform_0(%arg0: i32) -> (i32, i32) {
    %c0_i32 = arith.constant 0 : i32
    %c0_i32_0 = arith.constant 0 : i32
    return %arg0, %c0_i32 : i32, i32
  }
  func.func @transform_1(%arg0: i32) -> (i32, i32) {
    %c0_i32 = arith.constant 0 : i32
    %c0_i32_0 = arith.constant 0 : i32
    return %arg0, %c0_i32 : i32, i32
  }
  func.func @transform_2(%arg0: i32) -> (i32, i32) {
    %c0_i32 = arith.constant 0 : i32
    %c0_i32_0 = arith.constant 0 : i32
    return %arg0, %c0_i32 : i32, i32
  }
  func.func @transform_3(%arg0: i32) -> (i32, i32) {
    %c0_i32 = arith.constant 0 : i32
    %c0_i32_0 = arith.constant 0 : i32
    %c0_i32_1 = arith.constant 0 : i32
    return %c0_i32, %c0_i32_0 : i32, i32
  }
  func.func @transform_4(%arg0: i32) -> (i32, i32) {
    %c0_i32 = arith.constant 0 : i32
    %c0_i32_0 = arith.constant 0 : i32
    return %arg0, %c0_i32 : i32, i32
  }
  func.func @transform_5(%arg0: i32) -> (i32, i32) {
    %c0_i32 = arith.constant 0 : i32
    %c0_i32_0 = arith.constant 0 : i32
    return %arg0, %c0_i32 : i32, i32
  }
  func.func @transform_6(%arg0: i32) -> (i32, i32) {
    %c0_i32 = arith.constant 0 : i32
    %c0_i32_0 = arith.constant 0 : i32
    return %arg0, %c0_i32 : i32, i32
  }
}

module attributes {stable_mosaic.version = 14 : i64} {
  func.func @_final_body(%arg0: memref<10240x128xf32, #tpu.memory_space<vmem>>, %arg1: memref<10240x128xf32, #tpu.memory_space<vmem>>, %arg2: memref<10240x128xf32, #tpu.memory_space<vmem>>, %arg3: memref<10240x1xf32, #tpu.memory_space<vmem>>, %arg4: memref<10240x1xf32, #tpu.memory_space<vmem>>, %arg5: memref<10240x1xi32, #tpu.memory_space<vmem>>, %arg6: memref<1x20xi32, #tpu.memory_space<smem>>, %arg7: memref<1x20xi32, #tpu.memory_space<smem>>, %arg8: memref<128x64xf32, #tpu.memory_space<vmem>>, %arg9: memref<1x64xf32, #tpu.memory_space<vmem>>, %arg10: memref<64x1xf32, #tpu.memory_space<vmem>>, %arg11: memref<1x1xf32, #tpu.memory_space<vmem>>, %arg12: memref<64x1xf32, #tpu.memory_space<vmem>>, %arg13: memref<10240x128xf32, #tpu.memory_space<vmem>>, %arg14: memref<64x128xf32, #tpu.memory_space<vmem>>) attributes {dimension_semantics = [], scalar_prefetch = 0 : i64, scratch_operands = 2 : i64, tpu.core_type = #tpu.core_type<tc>} {
    %scan3A = arith.constant 0 : i32
    %scan3A_0 = arith.constant 20 : i32
    %scan3A_1 = arith.addi %scan3A, %scan3A_0 : i32
    %scan3A_2 = arith.constant 1 : i32
    scf.for %scan3A_55 = %scan3A to %scan3A_1 step %scan3A_2  : i32 {
      %mul3A = arith.constant 512 : i32
      %mul3A_56 = arith.muli %scan3A_55, %mul3A : i32
      %get3A_57 = arith.index_cast %mul3A_56 : i32 to index
      %get3A_58 = arith.constant 0 : index
      %get3A_59 = vector.load %arg3[%get3A_57, %get3A_58] : memref<10240x1xf32, #tpu.memory_space<vmem>>, vector<512x1xf32>
      %get3A_60 = arith.index_cast %mul3A_56 : i32 to index
      %get3A_61 = arith.constant 0 : index
      %get3A_62 = vector.load %arg4[%get3A_60, %get3A_61] : memref<10240x1xf32, #tpu.memory_space<vmem>>, vector<512x1xf32>
      %add3A_63 = arith.addf %get3A_59, %get3A_62 : vector<512x1xf32>
      %add3A_64 = arith.constant 1.000000e+00 : f32
      %add3A_65 = vector.broadcast %add3A_64 : f32 to vector<512x1xf32>
      %add3A_66 = arith.addf %add3A_63, %add3A_65 : vector<512x1xf32>
      %rsqrt3A = math.rsqrt %add3A_66 : vector<512x1xf32>
      %get3A_67 = arith.index_cast %mul3A_56 : i32 to index
      %get3A_68 = arith.constant 0 : index
      %get3A_69 = vector.load %arg0[%get3A_67, %get3A_68] : memref<10240x128xf32, #tpu.memory_space<vmem>>, vector<512x128xf32>
      %get3A_70 = arith.index_cast %mul3A_56 : i32 to index
      %get3A_71 = arith.constant 0 : index
      %get3A_72 = vector.load %arg1[%get3A_70, %get3A_71] : memref<10240x128xf32, #tpu.memory_space<vmem>>, vector<512x128xf32>
      %add3A_73 = arith.addf %get3A_69, %get3A_72 : vector<512x128xf32>
      %get3A_74 = arith.index_cast %mul3A_56 : i32 to index
      %get3A_75 = arith.constant 0 : index
      %get3A_76 = vector.load %arg2[%get3A_74, %get3A_75] : memref<10240x128xf32, #tpu.memory_space<vmem>>, vector<512x128xf32>
      %add3A_77 = arith.addf %add3A_73, %get3A_76 : vector<512x128xf32>
      %mul3A_78 = vector.broadcast %rsqrt3A : vector<512x1xf32> to vector<512x128xf32>
      %mul3A_79 = arith.mulf %mul3A_78, %add3A_77 : vector<512x128xf32>
      %gt3A_80 = arith.constant 0.000000e+00 : f32
      %gt3A_81 = vector.broadcast %gt3A_80 : f32 to vector<512x128xf32>
      %gt3A_82 = arith.cmpf ogt, %mul3A_79, %gt3A_81 : vector<512x128xf32>
      %exp3A_83 = math.exp %mul3A_79 : vector<512x128xf32>
      %sub3A_84 = arith.constant 1.000000e+00 : f32
      %sub3A_85 = vector.broadcast %sub3A_84 : f32 to vector<512x128xf32>
      %sub3A_86 = arith.subf %exp3A_83, %sub3A_85 : vector<512x128xf32>
      %select_n3A_87 = arith.select %gt3A_82, %mul3A_79, %sub3A_86 : vector<512x128xi1>, vector<512x128xf32>
      %swap3A_88 = arith.index_cast %mul3A_56 : i32 to index
      %swap3A_89 = arith.constant 0 : index
      %swap3A_90 = vector.load %arg13[%swap3A_88, %swap3A_89] : memref<10240x128xf32, #tpu.memory_space<vmem>>, vector<512x128xf32>
      tpu.vector_store %arg13[%swap3A_88, %swap3A_89], %select_n3A_87 {strides = array<i32>} : memref<10240x128xf32, #tpu.memory_space<vmem>>, vector<512x128xf32>,
    }
    %scan3A_3 = arith.constant 20 : i32
    %broadcast_in_dim3A = arith.constant 0xFF800000 : f32
    %broadcast_in_dim3A_4 = vector.broadcast %broadcast_in_dim3A : f32 to vector<64x128xf32>
    %swap3A = arith.constant 0 : index
    %swap3A_5 = arith.constant 0 : index
    %swap3A_6 = vector.load %arg14[%swap3A, %swap3A_5] : memref<64x128xf32, #tpu.memory_space<vmem>>, vector<64x128xf32>
    tpu.vector_store %arg14[%swap3A, %swap3A_5], %broadcast_in_dim3A_4 {strides = array<i32>} : memref<64x128xf32, #tpu.memory_space<vmem>>, vector<64x128xf32>,
    %scan3A_7 = arith.constant 0 : i32
    %scan3A_8 = arith.constant 20 : i32
    %scan3A_9 = arith.addi %scan3A_7, %scan3A_8 : i32
    %scan3A_10 = arith.constant 1 : i32
    scf.for %scan3A_55 = %scan3A_7 to %scan3A_9 step %scan3A_10  : i32 {
      %mul3A = arith.constant 512 : i32
      %mul3A_56 = arith.muli %scan3A_55, %mul3A : i32
      %get3A_57 = arith.index_cast %mul3A_56 : i32 to index
      %get3A_58 = arith.constant 0 : index
      %get3A_59 = vector.load %arg5[%get3A_57, %get3A_58] : memref<10240x1xi32, #tpu.memory_space<vmem>>, vector<512x1xi32>
      %get3A_60 = arith.index_cast %mul3A_56 : i32 to index
      %get3A_61 = arith.constant 0 : index
      %get3A_62 = vector.load %arg13[%get3A_60, %get3A_61] : memref<10240x128xf32, #tpu.memory_space<vmem>>, vector<512x128xf32>
      %get3A_63 = arith.constant 0 : index
      %get3A_64 = arith.index_cast %scan3A_55 : i32 to index
      %get3A_65 = memref.load %arg6[%get3A_63, %get3A_64] : memref<1x20xi32, #tpu.memory_space<smem>>
      %get3A_66 = arith.constant 0 : index
      %get3A_67 = arith.index_cast %scan3A_55 : i32 to index
      %get3A_68 = memref.load %arg7[%get3A_66, %get3A_67] : memref<1x20xi32, #tpu.memory_space<smem>>
      %min3A = arith.constant 63 : i32
      %min3A_69 = arith.minsi %get3A_68, %min3A : i32
      %add3A_70 = arith.constant 1 : i32
      %add3A_71 = arith.addi %min3A_69, %add3A_70 : i32
      %while3A = arith.constant 0 : i32
      %while3A_72 = arith.subi %add3A_71, %get3A_65 : i32
      %while3A_73 = arith.addi %get3A_65, %while3A_72 : i32
      %while3A_74 = arith.constant 1 : i32
      %while3A_75 = arith.divsi %while3A_72, %while3A_74 : i32
      %while3A_76 = arith.muli %while3A_75, %while3A_74 : i32
      %while3A_77 = arith.addi %get3A_65, %while3A_76 : i32
      %while3A_78 = arith.constant 1 : i32
      scf.for %while3A_80 = %get3A_65 to %while3A_77 step %while3A_78  : i32 {
        %eq3A = vector.broadcast %while3A_80 : i32 to vector<512x1xi32>
        %eq3A_81 = arith.cmpi eq, %get3A_59, %eq3A : vector<512x1xi32>
        %jit3A = arith.constant 0xFF800000 : f32
        %broadcast_in_dim3A_82 = vector.shape_cast %eq3A_81 : vector<512x1xi1> to vector<512x1xi1>
        %broadcast_in_dim3A_83 = vector.broadcast %broadcast_in_dim3A_82 : vector<512x1xi1> to vector<512x128xi1>
        %broadcast_in_dim3A_84 = vector.broadcast %jit3A : f32 to vector<512x128xf32>
        %select_n3A_85 = arith.select %broadcast_in_dim3A_83, %get3A_62, %broadcast_in_dim3A_84 : vector<512x128xi1>, vector<512x128xf32>
        %reduce_max3A = arith.constant dense<0xFF800000> : vector<128xf32>
        %reduce_max3A_86 = vector.multi_reduction <maximumf>, %select_n3A_85, %reduce_max3A [0] : vector<512x128xf32> to vector<128xf32>
        %broadcast_in_dim3A_87 = vector.shape_cast %reduce_max3A_86 : vector<128xf32> to vector<1x128xf32>
        %get3A_88 = arith.index_cast %while3A_80 : i32 to index
        %get3A_89 = arith.constant 0 : index
        %get3A_90 = vector.load %arg14[%get3A_88, %get3A_89] : memref<64x128xf32, #tpu.memory_space<vmem>>, vector<1x128xf32>
        %max3A = arith.maximumf %get3A_90, %broadcast_in_dim3A_87 : vector<1x128xf32>
        %swap3A_91 = arith.index_cast %while3A_80 : i32 to index
        %swap3A_92 = arith.constant 0 : index
        %swap3A_93 = vector.load %arg14[%swap3A_91, %swap3A_92] : memref<64x128xf32, #tpu.memory_space<vmem>>, vector<1x128xf32>
        tpu.vector_store %arg14[%swap3A_91, %swap3A_92], %max3A {strides = array<i32>} : memref<64x128xf32, #tpu.memory_space<vmem>>, vector<1x128xf32>,
      }
      %while3A_79 = arith.constant 1 : i32
      scf.for %while3A_80 = %while3A_77 to %while3A_73 step %while3A_79  : i32 {
        %eq3A = vector.broadcast %while3A_80 : i32 to vector<512x1xi32>
        %eq3A_81 = arith.cmpi eq, %get3A_59, %eq3A : vector<512x1xi32>
        %jit3A = arith.constant 0xFF800000 : f32
        %broadcast_in_dim3A_82 = vector.shape_cast %eq3A_81 : vector<512x1xi1> to vector<512x1xi1>
        %broadcast_in_dim3A_83 = vector.broadcast %broadcast_in_dim3A_82 : vector<512x1xi1> to vector<512x128xi1>
        %broadcast_in_dim3A_84 = vector.broadcast %jit3A : f32 to vector<512x128xf32>
        %select_n3A_85 = arith.select %broadcast_in_dim3A_83, %get3A_62, %broadcast_in_dim3A_84 : vector<512x128xi1>, vector<512x128xf32>
        %reduce_max3A = arith.constant dense<0xFF800000> : vector<128xf32>
        %reduce_max3A_86 = vector.multi_reduction <maximumf>, %select_n3A_85, %reduce_max3A [0] : vector<512x128xf32> to vector<128xf32>
        %broadcast_in_dim3A_87 = vector.shape_cast %reduce_max3A_86 : vector<128xf32> to vector<1x128xf32>
        %get3A_88 = arith.index_cast %while3A_80 : i32 to index
        %get3A_89 = arith.constant 0 : index
        %get3A_90 = vector.load %arg14[%get3A_88, %get3A_89] : memref<64x128xf32, #tpu.memory_space<vmem>>, vector<1x128xf32>
        %max3A = arith.maximumf %get3A_90, %broadcast_in_dim3A_87 : vector<1x128xf32>
        %swap3A_91 = arith.index_cast %while3A_80 : i32 to index
        %swap3A_92 = arith.constant 0 : index
        %swap3A_93 = vector.load %arg14[%swap3A_91, %swap3A_92] : memref<64x128xf32, #tpu.memory_space<vmem>>, vector<1x128xf32>
        tpu.vector_store %arg14[%swap3A_91, %swap3A_92], %max3A {strides = array<i32>} : memref<64x128xf32, #tpu.memory_space<vmem>>, vector<1x128xf32>,
      }
    }
    %scan3A_11 = arith.constant 20 : i32
    %get3A = arith.constant 0 : index
    %get3A_12 = arith.constant 0 : index
    %get3A_13 = vector.load %arg14[%get3A, %get3A_12] : memref<64x128xf32, #tpu.memory_space<vmem>>, vector<64x128xf32>
    %gt3A = arith.constant 0.000000e+00 : f32
    %gt3A_14 = vector.broadcast %gt3A : f32 to vector<64x128xf32>
    %gt3A_15 = arith.cmpf ogt, %get3A_13, %gt3A_14 : vector<64x128xf32>
    %exp3A = math.exp %get3A_13 : vector<64x128xf32>
    %sub3A = arith.constant 1.000000e+00 : f32
    %sub3A_16 = vector.broadcast %sub3A : f32 to vector<64x128xf32>
    %sub3A_17 = arith.subf %exp3A, %sub3A_16 : vector<64x128xf32>
    %select_n3A = arith.select %gt3A_15, %get3A_13, %sub3A_17 : vector<64x128xi1>, vector<64x128xf32>
    %get3A_18 = arith.constant 0 : index
    %get3A_19 = arith.constant 0 : index
    %get3A_20 = vector.load %arg8[%get3A_18, %get3A_19] : memref<128x64xf32, #tpu.memory_space<vmem>>, vector<128x64xf32>
    %dot_general3A = arith.constant dense<0.000000e+00> : vector<64x64xf32>
    %dot_general3A_21 = tpu.matmul %select_n3A, %get3A_20, %dot_general3A {dimension_numbers = #tpu.dot_dimension_numbers<[1], [0], [0], [1], [0, 0, 1, 1], [], []>, transpose_lhs_hint = false} : vector<64x128xf32>, vector<128x64xf32>, vector<64x64xf32> -> vector<64x64xf32>
    %get3A_22 = arith.constant 0 : index
    %get3A_23 = arith.constant 0 : index
    %get3A_24 = vector.load %arg9[%get3A_22, %get3A_23] : memref<1x64xf32, #tpu.memory_space<vmem>>, vector<1x64xf32>
    %add3A = vector.broadcast %get3A_24 : vector<1x64xf32> to vector<64x64xf32>
    %add3A_25 = arith.addf %dot_general3A_21, %add3A : vector<64x64xf32>
    %gt3A_26 = arith.constant 0.000000e+00 : f32
    %gt3A_27 = vector.broadcast %gt3A_26 : f32 to vector<64x64xf32>
    %gt3A_28 = arith.cmpf ogt, %add3A_25, %gt3A_27 : vector<64x64xf32>
    %exp3A_29 = math.exp %add3A_25 : vector<64x64xf32>
    %sub3A_30 = arith.constant 1.000000e+00 : f32
    %sub3A_31 = vector.broadcast %sub3A_30 : f32 to vector<64x64xf32>
    %sub3A_32 = arith.subf %exp3A_29, %sub3A_31 : vector<64x64xf32>
    %select_n3A_33 = arith.select %gt3A_28, %add3A_25, %sub3A_32 : vector<64x64xi1>, vector<64x64xf32>
    %get3A_34 = arith.constant 0 : index
    %get3A_35 = arith.constant 0 : index
    %get3A_36 = vector.load %arg10[%get3A_34, %get3A_35] : memref<64x1xf32, #tpu.memory_space<vmem>>, vector<64x1xf32>
    %dot_general3A_37 = arith.constant dense<0.000000e+00> : vector<64x1xf32>
    %dot_general3A_38 = tpu.matmul %select_n3A_33, %get3A_36, %dot_general3A_37 {dimension_numbers = #tpu.dot_dimension_numbers<[1], [0], [0], [1], [0, 0, 1, 1], [], []>, transpose_lhs_hint = false} : vector<64x64xf32>, vector<64x1xf32>, vector<64x1xf32> -> vector<64x1xf32>
    %get3A_39 = arith.constant 0 : index
    %get3A_40 = arith.constant 0 : index
    %get3A_41 = vector.load %arg11[%get3A_39, %get3A_40] : memref<1x1xf32, #tpu.memory_space<vmem>>, vector<1x1xf32>
    %add3A_42 = vector.broadcast %get3A_41 : vector<1x1xf32> to vector<64x1xf32>
    %add3A_43 = arith.addf %dot_general3A_38, %add3A_42 : vector<64x1xf32>
    %neg3A = arith.constant 0.000000e+00 : f32
    %neg3A_44 = vector.broadcast %neg3A : f32 to vector<64x1xf32>
    %neg3A_45 = arith.subf %neg3A_44, %add3A_43 : vector<64x1xf32>
    %exp3A_46 = math.exp %neg3A_45 : vector<64x1xf32>
    %add3A_47 = arith.constant 1.000000e+00 : f32
    %add3A_48 = vector.broadcast %add3A_47 : f32 to vector<64x1xf32>
    %add3A_49 = arith.addf %add3A_48, %exp3A_46 : vector<64x1xf32>
    %div3A = arith.constant 1.000000e+00 : f32
    %div3A_50 = vector.broadcast %div3A : f32 to vector<64x1xf32>
    %div3A_51 = arith.divf %div3A_50, %add3A_49 : vector<64x1xf32>
    %swap3A_52 = arith.constant 0 : index
    %swap3A_53 = arith.constant 0 : index
    %swap3A_54 = vector.load %arg12[%swap3A_52, %swap3A_53] : memref<64x1xf32, #tpu.memory_space<vmem>>, vector<64x1xf32>
    tpu.vector_store %arg12[%swap3A_52, %swap3A_53], %div3A_51 {strides = array<i32>} : memref<64x1xf32, #tpu.memory_space<vmem>>, vector<64x1xf32>,
    return
  }
}

</mosaic_0001>

<sc_bundles>
// kernel: kernel.11.cloned.1.call-start
scs
__scs_entry_jumppad:
0x0: {  	(pc) =	sbr.rel $0x88, $3  }
0x1: {  	(tag) =	ssettag $0x0;
	lr =	simm.s32 $0x1  }
0x2: {  	[smem:$0x3F98] =	sst lr;
	_ =	strace $0xD0000000  }
0x3: {  	_ = 	snop  }
0x4: {  	_ = 	snop  }
0x5: {  	_ = 	snop  }
0x6: {  	_ = 	snop  }
0x7: {  	_ = 	snop  }
__scs_overlays_trampoline_lowered:
0x8: {  	[smem:$0x3FA7] =	sst s0  }
0x9: {  	[smem:$0x3FA8] =	sst s1  }
0xa: {  	[smem:$0x3FA9] =	sst s2  }
0xb: {  	[smem:$0x3FAA] =	sst s3  }
0xc: {  	[smem:$0x3FAB] =	sst s4  }
0xd: {  	[smem:$0x3FAC] =	sst s5  }
0xe: {  	[smem:$0x3FAD] =	sst s6  }
0xf: {  	[smem:$0x3FAE] =	sst s7  }
0x10: {  	[smem:$0x3FAF] =	sst s8  }
0x11: {  	[smem:$0x3FB0] =	sst s9;
	s0 =	simm.s32 @!p0 $0x0  }
0x12: {  	s1 =	sld [smem:$0x3F96];
	s0 =	simm.s32 @p0 $0x1  }
0x13: {  	[smem:$0x3FB1] =	sst s0;
	s0 =	simm.s32 @!p1 $0x0  }
0x14: {  	s2 =	sld [smem:$0x3F95];
	s0 =	simm.s32 @p1 $0x1  }
0x15: {  	[smem:$0x3FB2] =	sst s0;
	s0 =	simm.s32 @!p2 $0x0  }
0x16: {  	s3 =	sld [smem:$0x3FDB];
	s0 =	simm.s32 @p2 $0x1  }
0x17: {  	s4 =	simm.s32 $0x1BF5;
	[smem:$0x3FB4] =	sst s0  }
0x18: {  	s0 =	sld [smem:$0x3F97];
	_ =	swait.ge [sflag:s4], $0x0  }
0x19: {  	s7 =	sld [smem:$0x3F98]  }
0x1a: {  	s8 =	sadd.s32 $0xFFFFE003, lr  }
0x1b: {  	s9 =	sadd.s32 $0xFFFFFEF7, lr;
	s5 =	simm.s32 $0xFFFFFFFF;
	p2 =	slt.u32 s8, $0xFFFFF086  }
0x1c: {  	p1 =	slt.u32 s9, $0xF7A;
	s5 =	simm.s32 @!p2 $0x0  }
0x1d: {  	s5 =	simm.s32 @p1 $0x1;
	p0 =	seq.s32 s7, s2  }
0x1e: {  	s7 =	smul.u32 @!p0 $0xF7A, s2;
	p2 =	seq.s32 @!p0 s5, $0x0  }
0x1f: {  	s9 =	smul.u32 $0xF7A, s1;
	s8 =	simm.s32 @!p0 $0x1BF5;
	p2 =	por !p2, p0  }
0x20: {  	[sflag:s8] =	ssyncset.s32 @!p0 $0xFFFFF086;
	s6 =	sadd.s32 @!p0 s3, s7;
	s7 =	simm.s32 @!p0 $0x108  }
0x21: {  	s3 =	sadd.s32 s3, s9;
	s6 =	sadd.s32 @!p0 $0x88, s6;
	s7 =	simm.s32 @p2 $0x1082  }
0x22: {  	[simem:s7], [sflag:s8] =	dma.local @!p0 [hbm:s6], $0xF7A  }
0x23: {  	s9 =	sor.u32 $0xD0000000, s2;
	s6 =	simm.s32 $0x108;
	_ =	swait.ge @!p0 [sflag:s8], $0x0  }
0x24: {  	s3 =	sadd.s32 $0x88, s3;
	s6 =	simm.s32 @!p1 $0x1082;
	[sflag:s4] =	ssyncset.s32 $0xFFFFF086  }
0x25: {  	[simem:s6], [sflag:s4] =	dma.local [hbm:s3], $0xF7A  }
0x26: {  	[smem:$0x3F98] =	sst s1;
	(tag) =	ssettag s2;
	_ =	strace s9  }
0x27: {  	s1 =	sld [smem:$0x3FA8]  }
0x28: {  	s2 =	sld [smem:$0x3FA9]  }
0x29: {  	s4 =	sld [smem:$0x3FAB]  }
0x2a: {  	p0 =	seq.s32 s5, $0x0;
	s5 =	sld [smem:$0x3FAC]  }
0x2b: {  	s6 =	sld [smem:$0x3FAD]  }
0x2c: {  	s7 =	sld [smem:$0x3FAE]  }
0x2d: {  	s3 =	simm.s32 $0x108;
	s8 =	sld [smem:$0x3FAF]  }
0x2e: {  	s3 =	simm.s32 @!p0 $0x1082;
	s9 =	sld [smem:$0x3FB0]  }
0x2f: {  	lr =	sadd.s32 s0, s3;
	s0 =	sld [smem:$0x3FA7]  }
0x30: {  	s3 =	sld [smem:$0x3FAA]  }
0x31: {  	[smem:$0x3FB3] =	sst s10  }
0x32: {  	s10 =	sld [smem:$0x3FB1];
	_ =	sdelay $0x3  }
0x33: {  	p0 =	seq.s32 s10, $0x1;
	s10 =	sld [smem:$0x3FB3];
	_ =	sdelay $0x3  }
0x34: {  	[smem:$0x3FB3] =	sst s10  }
0x35: {  	s10 =	sld [smem:$0x3FB2];
	_ =	sdelay $0x3  }
0x36: {  	p1 =	seq.s32 s10, $0x1;
	s10 =	sld [smem:$0x3FB3];
	_ =	sdelay $0x3  }
0x37: {  	[smem:$0x3FB3] =	sst s10  }
0x38: {  	s10 =	sld [smem:$0x3FB4]  }
0x39: {  	_ = 	snop;
	(pc) =	sbr.ind lr, $3  }
0x3a: {  	_ = 	snop  }
0x3b: {  	_ = 	snop  }
0x3c: {  	p2 =	seq.s32 s10, $0x1;
	s10 =	sld [smem:$0x3FB3]  }
0x3d: {  	_ =	shalt  }
0x3e: {  	_ =	shalt  }
0x3f: {  	_ =	shalt  }
0x40: {  	_ =	shalt  }
0x41: {  	_ =	shalt  }
0x42: {  	_ =	shalt  }
0x43: {  	_ =	shalt  }
0x44: {  	_ =	shalt  }
0x45: {  	_ =	shalt  }
0x46: {  	_ =	shalt  }
0x47: {  	_ =	shalt  }
0x48: {  	_ =	shalt  }
0x49: {  	_ =	shalt  }
0x4a: {  	_ =	shalt  }
0x4b: {  	_ =	shalt  }
0x4c: {  	_ =	shalt  }
0x4d: {  	_ =	shalt  }
0x4e: {  	_ =	shalt  }
0x4f: {  	_ =	shalt  }
0x50: {  	_ =	shalt  }
0x51: {  	_ =	shalt  }
0x52: {  	_ =	shalt  }
0x53: {  	_ =	shalt  }
0x54: {  	_ =	shalt  }
0x55: {  	_ =	shalt  }
0x56: {  	_ =	shalt  }
0x57: {  	_ =	shalt  }
0x58: {  	_ =	shalt  }
0x59: {  	_ =	shalt  }
0x5a: {  	_ =	shalt  }
0x5b: {  	_ =	shalt  }
0x5c: {  	_ =	shalt  }
0x5d: {  	_ =	shalt  }
0x5e: {  	_ =	shalt  }
0x5f: {  	_ =	shalt  }
0x60: {  	_ =	shalt  }
0x61: {  	_ =	shalt  }
0x62: {  	_ =	shalt  }
0x63: {  	_ =	shalt  }
0x64: {  	_ =	shalt  }
0x65: {  	_ =	shalt  }
0x66: {  	_ =	shalt  }
0x67: {  	_ =	shalt  }
0x68: {  	_ =	shalt  }
0x69: {  	_ =	shalt  }
0x6a: {  	_ =	shalt  }
0x6b: {  	_ =	shalt  }
0x6c: {  	_ =	shalt  }
0x6d: {  	_ =	shalt  }
0x6e: {  	_ =	shalt  }
0x6f: {  	_ =	shalt  }
0x70: {  	_ =	shalt  }
0x71: {  	_ =	shalt  }
0x72: {  	_ =	shalt  }
0x73: {  	_ =	shalt  }
0x74: {  	_ =	shalt  }
0x75: {  	_ =	shalt  }
0x76: {  	_ =	shalt  }
0x77: {  	_ =	shalt  }
0x78: {  	_ =	shalt  }
0x79: {  	_ =	shalt  }
0x7a: {  	_ =	shalt  }
0x7b: {  	_ =	shalt  }
0x7c: {  	_ =	shalt  }
0x7d: {  	_ =	shalt  }
0x7e: {  	_ =	shalt  }
0x7f: {  	_ =	shalt  }
0x80: {  	_ =	shalt  }
0x81: {  	_ =	shalt  }
0x82: {  	_ =	shalt  }
0x83: {  	_ =	shalt  }
0x84: {  	_ =	shalt  }
0x85: {  	_ =	shalt  }
0x86: {  	_ =	shalt  }
0x87: {  	_ =	shalt  }
.Lfunc_end0:
.L_simem_size_0:
called_computation.1_lowered:
.L_overlay_start_0:
0x88: {  	s2 =	sld [smem:$0x3FD9]  }
0x89: {  	s3 =	sld [smem:$0x3FFE];
	_ =	sdelay $0x1  }
0x8a: {  	s1 =	srdreg.scid  }
0x8b: {  	s0 =	sand.u32 $0x1, s1  }
0x8c: {  	s16 =	sshll.u32 s0, $0xA;
	s2 =	sadd.s32 s3, s2  }
0x8d: {  	s2 =	sadd.s32 s2, s16  }
0x8e: {  	[smem:$0x3FBF] =	sst s2  }
0x8f: {  	_ = 	snop  }
0x90: {  	(tm) =	ssettm $0x1  }
0x91: {  	s17 =	sld [smem:$0x3FFB];
	_ =	sdelay $0x3  }
0x92: {  	_ =	strace s17  }
0x93: {  	s2 =	sld [smem:$0x3FFC];
	_ =	sdelay $0x3  }
0x94: {  	_ =	strace s2  }
0x95: {  	s2 =	sld [smem:$0x3FFD];
	_ =	sdelay $0x3  }
0x96: {  	_ =	strace s2  }
0x97: {  	_ =	strace $0x8FFFFFFF  }
0x98: {  	s18 =	sld [smem:$0x3FDB];
	_ =	sdelay $0x1  }
0x99: {  	s19 =	simm.s32 $_scs_section_size  }
0x9a: {  	s4 =	simm.s32 $_size__tile_overlayer_lowered;
	s5 =	simm.s32 $_tile_overlayer_lowered  }
0x9b: {  	s22 =	simm.s32 $0x1BFF;
	s21 =	sshll.u32 s5, $0x1;
	s2 =	sadd.s32 s19, s18  }
0x9c: {  	s6 =	simm.s32 $0x0;
	s20 =	sshll.u32 s4, $0x1;
	s4 =	sadd.s32 s21, s2  }
0x9d: {  	[timem:s6], [sflag:s22] =	dma.local [hbm:s4], s20  }
0x9e: {  	_ =	swait.ge [sflag:s22], s20  }
0x9f: {  	s3 =	ssub.s32 $0x0, s20;
	[sflag:s22] =	ssyncset.done $0x0  }
0xa0: {  	[sflag:s22] =	ssyncadd.s32 s3;
	_ =	sdelay $0x1  }
0xa1: {  	s23 =	simm.s32 $0x1B8B  }
0xa2: {  	_ =	swait.ge [sflag:s23], $0x1  }
0xa3: {  	[sflag:s23] =	ssyncset.done $0x0  }
0xa4: {  	s25 =	simm.s32 $0x1B8E;
	s24 =	sld [smem:$0x3FFE];
	[sflag:s23] =	ssyncadd.s32 $0xFFFFFFFF  }
0xa5: {  	s26 =	simm.s32 $execute0_lowered;
	[smem:$0x3FD2] =	sst s25  }
0xa6: {  	s4 =	sshll.u32 s26, $0x1;
	_ =	strace $0x80000049;
	[dreg:$0x1] =	wrdreg $0xFFFFFFFF  }
0xa7: {  	s28 =	simm.s32 $_size_execute0_lowered;
	s2 =	sadd.s32 s2, s4;
	[dreg:$0x0] =	wrdreg $0x0  }
0xa8: {  	s4 =	sshll.u32 s28, $0x1;
	[dreg:$0x2] =	wrdreg s2  }
0xa9: {  	[dreg:$0x3] =	wrdreg s4  }
0xaa: {  	[dreg:$0x4] =	wrdreg $0xC0  }
0xab: {  	_ =	task [dreg:s6], $0x5FFFF  }
0xac: {  	[dreg:$0x1] =	wrdreg $0xFFFFFFFF  }
0xad: {  	[dreg:$0x0] =	wrdreg $0x60  }
0xae: {  	[dreg:$0x2] =	wrdreg s24  }
0xaf: {  	[dreg:$0x3] =	wrdreg $0x81800  }
0xb0: {  	[dreg:$0x4] =	wrdreg $0x9  }
0xb1: {  	_ =	task.clear_ibuf [dreg:s6], $0x5FFFF;
	_ =	strace $0x90000049  }
0xb2: {  	s29 =	simm.s32 $0x9;
	_ =	strace $0x8000004B  }
0xb3: {  	_ =	swait.ge [sflag:s29], $0x1  }
0xb4: {  	[sflag:s29] =	ssyncadd.s32 $0xFFFFFFFF  }
0xb5: {  	_ =	strace $0x9000004B  }
0xb6: {  	_ =	sfence  }
0xb7: {  	s30 =	sld [smem:$0x0];
	_ =	sdelay $0x2  }
0xb8: {  	s31 =	sshll.u32 s1, $0xD;
	s1 =	sshrl.u32 s1, $0x2  }
0xb9: {  	s3 =	sand.u32 $0x4000, s31;
	s1 =	sadd.s32 s1, s30  }
0xba: {  	s0 =	sor.u32 s3, s0;
	s1 =	sshll.u32 s1, $0x11  }
0xbb: {  	s0 =	sor.u32 s1, s0  }
0xbc: {  	s0 =	sadd.s32 $0x8F2B, s0  }
0xbd: {  	[sflag:s0] =	ssyncadd.remote.s32 $0x1  }
0xbe: {  	_ =	sfence.sel $0xFFFF  }
0xbf: {  	[dreg:$0x0] =	wrdreg $0xFFFFFFFF;
	(pc) =	sbr.abs _section_cstart, $3  }
0xc0: {  	[dreg:$0x1] =	wrdreg $0xFFFFFFFF  }
0xc1: {  	_ =	task.clear_ibuf [dreg:s6], $0x2FFFF;
	_ =	strace $0x9FFFFFFF  }
0xc2: {  	(tm) =	ssettm $0x7FFFFFFF  }
0xc3: {  	_ =	shalt  }
tec
execute0_lowered:
.L_overlay_start_1:
0x0: {  	(tag) =	ssettag $0x1  }
0x1: {  	s1 =	rddreg [dreg:$0x0]  }
0x2: {  	s3 =	srdreg.scid;
	s0 =	stileid.u32  }
0x3: {  	s2 =	rddreg [dreg:$0x1];
	s20 =	simm.s32 $0x80;
	s7 =	smul.u32 $0x14000, s0  }
0x4: {  	s8 =	sand.u32 $0x1, s3;
	s3 =	simm.s32 $0x0;
	s13 =	smul.u32 $0x50000, s0  }
0x5: {  	s4 =	sadd.s32 $0x71C00, s1;
	s12 =	sadd.s32 $0x3800, s1;
	s15 =	smul.u32 $0x2780, s0  }
0x6: {  	s23 =	sshll.u32 s0, $0x6;
	s5 =	smul.u32 $0x140000, s8;
	[smem:$0x7FF] =	sst s3  }
0x7: {  	s21 =	ssub.s32 $0x2, s8;
	s11 =	sshll.u32 s8, $0x4;
	s25 =	smul.u32 $0x27800, s8  }
0x8: {  	_ =	strace $0x8000004A;
	s10 =	sshrl.u32 s21, $0x1;
	s22 =	sor.u32 s0, s11  }
0x9: {  	s14 =	sadd.s32 s7, s2;
	s24 =	sshrl.u32 s13, $0x2;
	s6 =	sadd.s32 s7, s5  }
0xa: {  	s5 =	sadd.s32 $0x17E00, s1;
	s10 =	ssub.s32 s21, s10;
	s7 =	sor.u32 $0x1C03, s23  }
0xb: {  	s11 =	sadd.s32 s24, s2;
	s30 =	sadd.s32 s15, s25;
	s14 =	sshrl.u32 s14, $0x3  }
0xc: {  	s15 =	simm.s32 $0x3;
	s21 =	simm.s32 $0x180;
	s23 =	simm.s32 $0x100  }
0xd: {  	s24 =	simm.s32 $0x4;
	s25 =	simm.s32 $0x0;
	s9 =	sshrl.u32 s6, $0x3  }
0xe: {  	s6 =	sadd.s32 $0xD600, s1;
	s16 =	sadd.s32 $0x4000, s11;
	s17 =	sadd.s32 $0x8000, s11  }
0xf: {  	s18 =	sadd.s32 $0xC000, s11;
	s19 =	sadd.s32 $0x10000, s11;
	s31 =	smax.u32 s10, $0x1  }
0x10: {  	s13 =	sshrl.u32 s30, $0x3;
	s1 =	sadd.s32 s9, s1;
	s9 =	smul.u32 $0x2780, s22  }
0x11: {  	[dreg:$0x5] =	wrdreg s31;
	s16 =	sshrl.u32 s16, $0x3;
	s17 =	sshrl.u32 s17, $0x3  }
0x12: {  	s18 =	sshrl.u32 s18, $0x3;
	s19 =	sshrl.u32 s19, $0x3;
	s29 =	sadd.s32 $0x99C00, s1  }
0x13: {  	s22 =	simm.s32 $0x1;
	s26 =	sshrl.u32 s9, $0x3;
	[dreg:$0x4] =	wrdreg s29  }
0x14: {  	s28 =	sadd.s32 s5, s26;
	s11 =	sadd.s32 s12, s26;
	s12 =	sadd.s32 s13, s12  }
0x15: {  	s13 =	sadd.s32 $0x80, s30;
	[dreg:$0x3] =	wrdreg s28;
	s11 =	sadd.s32 $0x4E0, s11  }
.LBB2_1:
0x16: {  	[spmem:s14], [sflag:s7] =	dma.local [hbm:s6], $0x800  }
0x17: {  	_ =	swait.ge [sflag:s15], $0x800  }
0x18: {  	[sflag:s15] =	ssyncset.done $0x0  }
0x19: {  	[sflag:s15] =	ssyncadd.s32 $0xFFFFF800  }
0x1a: {  	[spmem:s16], [sflag:s7] =	dma.local [hbm:s6], $0x800  }
0x1b: {  	_ =	swait.ge [sflag:s15], $0x800  }
0x1c: {  	[sflag:s15] =	ssyncset.done $0x0  }
0x1d: {  	[sflag:s15] =	ssyncadd.s32 $0xFFFFF800  }
0x1e: {  	[spmem:s17], [sflag:s7] =	dma.local [hbm:s6], $0x800  }
0x1f: {  	_ =	swait.ge [sflag:s15], $0x800  }
0x20: {  	[sflag:s15] =	ssyncset.done $0x0  }
0x21: {  	[sflag:s15] =	ssyncadd.s32 $0xFFFFF800  }
0x22: {  	[spmem:s18], [sflag:s7] =	dma.local [hbm:s6], $0x800  }
0x23: {  	_ =	swait.ge [sflag:s15], $0x800  }
0x24: {  	[sflag:s15] =	ssyncset.done $0x0  }
0x25: {  	[sflag:s15] =	ssyncadd.s32 $0xFFFFF800  }
0x26: {  	[spmem:s19], [sflag:s7] =	dma.local [hbm:s6], $0x800  }
0x27: {  	_ =	swait.ge [sflag:s15], $0x800  }
0x28: {  	[sflag:s15] =	ssyncset.done $0x0  }
0x29: {  	[sflag:s15] =	ssyncadd.s32 $0xFFFFF800  }
0x2a: {  	[bflag:$0x0] =	sbarrier.arrive $0xFFFF  }
0x2b: {  	s0 =	rddreg [dreg:$0x3]  }
0x2c: {  	[tilespmem:s3], [sflag:$0x3] =	stream.linear.gather [hbm4b:s0+s3], $0x80, $0x38;
	[tilespmem:$0x1C180] =	vst v63  }
0x2d: {  	s1 =	sand.u32 $0x1, s3;
	_ =	swait.ge [sflag:s15], $0x80  }
0x2e: {  	p0 =	seq.s32 s1, $0x1;
	[sflag:s15] =	ssyncset.done $0x0  }
0x2f: {  	s1 =	sshrl.u32 @p0 s13, $0x3;
	[sflag:s15] =	ssyncadd.s32 $0xFFFFFF80  }
0x30: {  	[tilespmem:s21], [sflag:$0x1] =	stream.indirect.gather [hbm4b:s4+s20], $0x80, s3, s20, $0xb8;
	[tilespmem:$0x1C180] =	vst v63  }
0x31: {  	s26 =	simm.s32 @p0 $0x0;
	s28 =	simm.s32 @p0 $0x4;
	s1 =	sadd.s32 @p0 s5, s1  }
0x32: {  	[tilespmem:s26], [sflag:$0x4] =	stream.linear.gather @p0 [hbm4b:s1+s26], $0x80, $0x38;
	[tilespmem:$0x1C180] =	vst v63  }
0x33: {  	_ =	swait.ge @p0 [sflag:s28], $0x80  }
0x34: {  	s29 =	simm.s32 @p0 $0x80;
	[sflag:s28] =	ssyncset.done @p0 $0x0  }
0x35: {  	s30 =	simm.s32 @p0 $0x180;
	s1 =	simm.s32 @p0 $0x2;
	[sflag:s28] =	ssyncadd.s32 @p0 $0xFFFFFF80  }
0x36: {  	[tilespmem:s30], [sflag:$0x1] =	stream.indirect.gather @p0 [hbm4b:s4+s29], $0x80, s26, s29, $0xb8;
	[tilespmem:$0x1C180] =	vst v63  }
0x37: {  	_ =	swait.ge @p0 [sflag:s1], $0x4000  }
0x38: {  	[sflag:s1] =	ssyncset.done @p0 $0x0  }
0x39: {  	[sflag:s1] =	ssyncadd.s32 @p0 $0xFFFFC000;
	s1 =	simm.s32 @p0 $0x100  }
0x3a: {  	[tilespmem:s1], [sflag:$0x4] =	stream.linear.gather @p0 [hbm4b:s12+s26], $0x80, $0x38;
	[tilespmem:$0x1C180] =	vst v63  }
0x3b: {  	_ =	swait.ge @p0 [sflag:s28], $0x80  }
0x3c: {  	s30 =	simm.s32 @!p0 $0x4;
	[sflag:s28] =	ssyncset.done @p0 $0x0  }
0x3d: {  	s26 =	sshrl.u32 @!p0 s13, $0x3;
	[sflag:s28] =	ssyncadd.s32 @p0 $0xFFFFFF80;
	s28 =	simm.s32 @p0 $0x4180  }
0x3e: {  	[spmem:s2] =	stream.indirect.scatter.add.f32 @p0 [tilespmem:s28], [sflag:$0x3], $0x80, s1, s29, $0xb8;
	[tilespmem:$0x1C180] =	vst v63  }
0x3f: {  	s26 =	sadd.s32 @!p0 s5, s26;
	s1 =	simm.s32 @!p0 $0x0;
	s28 =	simm.s32 @!p0 $0x80  }
0x40: {  	[tilespmem:s28], [sflag:$0x4] =	stream.linear.gather @!p0 [hbm4b:s26+s1], $0x80, $0x38;
	[tilespmem:$0x1C180] =	vst v63  }
0x41: {  	_ =	swait.ge @!p0 [sflag:s30], $0x80  }
0x42: {  	[sflag:s30] =	ssyncset.done @!p0 $0x0  }
0x43: {  	s29 =	simm.s32 @!p0 $0x1;
	s26 =	simm.s32 @!p0 $0x4180;
	[sflag:s30] =	ssyncadd.s32 @!p0 $0xFFFFFF80  }
0x44: {  	[tilespmem:s26], [sflag:$0x2] =	stream.indirect.gather @!p0 [hbm4b:s4+s28], $0x80, s28, s28, $0xb8;
	[tilespmem:$0x1C180] =	vst v63  }
0x45: {  	_ =	swait.ge @!p0 [sflag:s29], $0x4000  }
0x46: {  	[sflag:s29] =	ssyncset.done @!p0 $0x0  }
0x47: {  	s31 =	simm.s32 @!p0 $0x100;
	[sflag:s29] =	ssyncadd.s32 @!p0 $0xFFFFC000  }
0x48: {  	[tilespmem:s31], [sflag:$0x4] =	stream.linear.gather @!p0 [hbm4b:s12+s1], $0x80, $0x38;
	[tilespmem:$0x1C180] =	vst v63  }
0x49: {  	s10 =	simm.s32 $0x1;
	s0 =	simm.s32 @!p0 $0x180;
	_ =	swait.ge @!p0 [sflag:s30], $0x80  }
0x4a: {  	s26 =	sadd.s32 $0x10, s12;
	s29 =	simm.s32 $0x2;
	[sflag:s30] =	ssyncset.done @!p0 $0x0  }
0x4b: {  	s1 =	sand.u32 $0x1, s10;
	[sflag:s30] =	ssyncadd.s32 @!p0 $0xFFFFFF80;
	s30 =	simm.s32 @p0 $0x3  }
0x4c: {  	[spmem:s2] =	stream.indirect.scatter.add.f32 @!p0 [tilespmem:s0], [sflag:$0x4], $0x80, s31, s28, $0xb8;
	[tilespmem:$0x1C180] =	vst v63  }
0x4d: {  	p0 =	seq.s32 s1, $0x1;
	s28 =	sadd.s32 $0x80, s13;
	_ =	swait.ge [sflag:s30], $0x4000  }
0x4e: {  	s31 =	sshrl.u32 @p0 s28, $0x3;
	s1 =	simm.s32 @p0 $0x0;
	[sflag:s30] =	ssyncset.done $0x0  }
.LBB2_2:
0x4f: {  	s0 =	sadd.s32 @p0 s5, s31  }
0x50: {  	s8 =	simm.s32 @p0 $0x4;
	[sflag:s30] =	ssyncadd.s32 $0xFFFFC000;
	s31 =	smov.u32 s29  }
0x51: {  	[tilespmem:s1], [sflag:$0x4] =	stream.linear.gather @p0 [hbm4b:s0+s1], $0x80, $0x38;
	[tilespmem:$0x1C180] =	vst v63  }
0x52: {  	s29 =	sadd.s32 $0x1, s29;
	s0 =	sshrl.u32 @!p0 s28, $0x3;
	_ =	swait.ge @p0 [sflag:s8], $0x80  }
0x53: {  	s30 =	simm.s32 @p0 $0x2;
	s0 =	sadd.s32 @!p0 s5, s0;
	[sflag:s8] =	ssyncset.done @p0 $0x0  }
0x54: {  	s9 =	simm.s32 @p0 $0x80;
	s10 =	simm.s32 @p0 $0x180;
	[sflag:s8] =	ssyncadd.s32 @p0 $0xFFFFFF80  }
0x55: {  	[tilespmem:s10], [sflag:$0x1] =	stream.indirect.gather @p0 [hbm4b:s4+s9], $0x80, s1, s9, $0xb8;
	[tilespmem:$0x1C180] =	vst v63  }
0x56: {  	p1 =	sne.s32 s29, $0x4E;
	_ =	swait.ge @p0 [sflag:s30], $0x4000  }
0x57: {  	[sflag:s30] =	ssyncset.done @p0 $0x0  }
0x58: {  	s10 =	simm.s32 @p0 $0x100;
	[sflag:s30] =	ssyncadd.s32 @p0 $0xFFFFC000  }
0x59: {  	[tilespmem:s10], [sflag:$0x4] =	stream.linear.gather @p0 [hbm4b:s26+s1], $0x80, $0x38;
	[tilespmem:$0x1C180] =	vst v63  }
0x5a: {  	_ =	swait.ge @p0 [sflag:s8], $0x80  }
0x5b: {  	[sflag:s8] =	ssyncset.done @p0 $0x0  }
0x5c: {  	s1 =	simm.s32 @p0 $0x4180;
	[sflag:s8] =	ssyncadd.s32 @p0 $0xFFFFFF80  }
0x5d: {  	[spmem:s2] =	stream.indirect.scatter.add.f32 @p0 [tilespmem:s1], [sflag:$0x3], $0x80, s10, s9, $0xb8;
	[tilespmem:$0x1C180] =	vst v63  }
0x5e: {  	s30 =	simm.s32 @!p0 $0x4;
	s8 =	simm.s32 @!p0 $0x80;
	s1 =	simm.s32 @!p0 $0x0  }
0x5f: {  	[tilespmem:s8], [sflag:$0x4] =	stream.linear.gather @!p0 [hbm4b:s0+s1], $0x80, $0x38;
	[tilespmem:$0x1C180] =	vst v63  }
0x60: {  	_ =	swait.ge @!p0 [sflag:s30], $0x80  }
0x61: {  	[sflag:s30] =	ssyncset.done @!p0 $0x0  }
0x62: {  	s9 =	simm.s32 @!p0 $0x1;
	s0 =	simm.s32 @!p0 $0x4180;
	[sflag:s30] =	ssyncadd.s32 @!p0 $0xFFFFFF80  }
0x63: {  	[tilespmem:s0], [sflag:$0x2] =	stream.indirect.gather @!p0 [hbm4b:s4+s8], $0x80, s8, s8, $0xb8;
	[tilespmem:$0x1C180] =	vst v63  }
0x64: {  	_ =	swait.ge @!p0 [sflag:s9], $0x4000  }
0x65: {  	[sflag:s9] =	ssyncset.done @!p0 $0x0  }
0x66: {  	s0 =	simm.s32 @!p0 $0x100;
	[sflag:s9] =	ssyncadd.s32 @!p0 $0xFFFFC000  }
0x67: {  	[tilespmem:s0], [sflag:$0x4] =	stream.linear.gather @!p0 [hbm4b:s26+s1], $0x80, $0x38;
	[tilespmem:$0x1C180] =	vst v63  }
0x68: {  	s26 =	sadd.s32 $0x10, s26;
	_ =	swait.ge @!p0 [sflag:s30], $0x80  }
.Ltmp0:
0x69: {  	s1 =	simm.s32 @!p0 $0x180;
	[sflag:s30] =	ssyncset.done @!p0 $0x0;
	(pc) =	sbr.rel @p1 .LBB2_2-.Ltmp0, $4  }
0x6a: {  	s9 =	sand.u32 $0x1, s31;
	[sflag:s30] =	ssyncadd.s32 @!p0 $0xFFFFFF80;
	s30 =	simm.s32 @p0 $0x3  }
0x6b: {  	[spmem:s2] =	stream.indirect.scatter.add.f32 @!p0 [tilespmem:s1], [sflag:$0x4], $0x80, s0, s8, $0xb8;
	[tilespmem:$0x1C180] =	vst v63  }
0x6c: {  	s28 =	sadd.s32 $0x80, s28;
	p0 =	seq.s32 s9, $0x1;
	_ =	swait.ge [sflag:s30], $0x4000  }
0x6d: {  	s31 =	sshrl.u32 @p0 s28, $0x3;
	s1 =	simm.s32 @p0 $0x0;
	[sflag:s30] =	ssyncset.done $0x0  }
0x6e: {  	s0 =	sadd.s32 @p0 s5, s31;
	s8 =	simm.s32 @p0 $0x4;
	[sflag:s30] =	ssyncadd.s32 $0xFFFFC000  }
0x6f: {  	[tilespmem:s1], [sflag:$0x4] =	stream.linear.gather @p0 [hbm4b:s0+s1], $0x80, $0x38;
	[tilespmem:$0x1C180] =	vst v63  }
0x70: {  	_ =	swait.ge @p0 [sflag:s8], $0x80  }
0x71: {  	s9 =	simm.s32 @p0 $0x80;
	[sflag:s8] =	ssyncset.done @p0 $0x0  }
0x72: {  	s10 =	simm.s32 @p0 $0x180;
	s0 =	simm.s32 @p0 $0x2;
	[sflag:s8] =	ssyncadd.s32 @p0 $0xFFFFFF80  }
0x73: {  	[tilespmem:s10], [sflag:$0x1] =	stream.indirect.gather @p0 [hbm4b:s4+s9], $0x80, s1, s9, $0xb8;
	[tilespmem:$0x1C180] =	vst v63  }
0x74: {  	_ =	swait.ge @p0 [sflag:s0], $0x4000  }
0x75: {  	[sflag:s0] =	ssyncset.done @p0 $0x0  }
0x76: {  	[sflag:s0] =	ssyncadd.s32 @p0 $0xFFFFC000;
	s0 =	simm.s32 @p0 $0x100  }
0x77: {  	[tilespmem:s0], [sflag:$0x4] =	stream.linear.gather @p0 [hbm4b:s26+s1], $0x80, $0x38;
	[tilespmem:$0x1C180] =	vst v63  }
0x78: {  	_ =	swait.ge @p0 [sflag:s8], $0x80  }
0x79: {  	s1 =	sshrl.u32 @!p0 s28, $0x3;
	[sflag:s8] =	ssyncset.done @p0 $0x0  }
0x7a: {  	s1 =	sadd.s32 @!p0 s5, s1;
	[sflag:s8] =	ssyncadd.s32 @p0 $0xFFFFFF80;
	s8 =	simm.s32 @p0 $0x4180  }
0x7b: {  	[spmem:s2] =	stream.indirect.scatter.add.f32 @p0 [tilespmem:s8], [sflag:$0x3], $0x80, s0, s9, $0xb8;
	[tilespmem:$0x1C180] =	vst v63  }
0x7c: {  	s0 =	simm.s32 @!p0 $0x0;
	s8 =	simm.s32 @!p0 $0x80;
	s9 =	simm.s32 @!p0 $0x4  }
0x7d: {  	[tilespmem:s8], [sflag:$0x4] =	stream.linear.gather @!p0 [hbm4b:s1+s0], $0x80, $0x38;
	[tilespmem:$0x1C180] =	vst v63  }
0x7e: {  	_ =	swait.ge @!p0 [sflag:s9], $0x80  }
0x7f: {  	[sflag:s9] =	ssyncset.done @!p0 $0x0  }
0x80: {  	s10 =	simm.s32 @!p0 $0x1;
	s1 =	simm.s32 @!p0 $0x4180;
	[sflag:s9] =	ssyncadd.s32 @!p0 $0xFFFFFF80  }
0x81: {  	[tilespmem:s1], [sflag:$0x2] =	stream.indirect.gather @!p0 [hbm4b:s4+s8], $0x80, s8, s8, $0xb8;
	[tilespmem:$0x1C180] =	vst v63  }
0x82: {  	_ =	swait.ge @!p0 [sflag:s10], $0x4000  }
0x83: {  	[sflag:s10] =	ssyncset.done @!p0 $0x0  }
0x84: {  	s1 =	simm.s32 @!p0 $0x100;
	[sflag:s10] =	ssyncadd.s32 @!p0 $0xFFFFC000  }
0x85: {  	[tilespmem:s1], [sflag:$0x4] =	stream.linear.gather @!p0 [hbm4b:s26+s0], $0x80, $0x38;
	[tilespmem:$0x1C180] =	vst v63  }
0x86: {  	_ =	swait.ge @!p0 [sflag:s9], $0x80  }
0x87: {  	[sflag:s9] =	ssyncset.done @!p0 $0x0  }
0x88: {  	s0 =	simm.s32 @!p0 $0x180;
	[sflag:s9] =	ssyncadd.s32 @!p0 $0xFFFFFF80;
	s9 =	simm.s32 @p0 $0x3  }
0x89: {  	[spmem:s2] =	stream.indirect.scatter.add.f32 @!p0 [tilespmem:s0], [sflag:$0x4], $0x80, s1, s8, $0xb8;
	[tilespmem:$0x1C180] =	vst v63  }
0x8a: {  	_ =	swait.ge [sflag:s9], $0x4000  }
0x8b: {  	[sflag:s9] =	ssyncset.done $0x0  }
0x8c: {  	[sflag:s9] =	ssyncadd.s32 $0xFFFFC000  }
0x8d: {  	_ =	swait.ge [sflag:s22], $0x4000  }
0x8e: {  	[sflag:s22] =	ssyncset.done $0x0  }
0x8f: {  	[sflag:s22] =	ssyncadd.s32 $0xFFFFC000  }
0x90: {  	[tilespmem:s23], [sflag:$0x4] =	stream.linear.gather [hbm4b:s11+s3], $0x80, $0x38;
	[tilespmem:$0x1C180] =	vst v63  }
0x91: {  	_ =	swait.ge [sflag:s24], $0x80  }
0x92: {  	[sflag:s24] =	ssyncset.done $0x0  }
0x93: {  	[sflag:s24] =	ssyncadd.s32 $0xFFFFFF80  }
0x94: {  	[spmem:s2] =	stream.indirect.scatter.add.f32 [tilespmem:s21], [sflag:$0x4], $0x80, s23, s20, $0xb8;
	[tilespmem:$0x1C180] =	vst v63  }
0x95: {  	_ =	swait.ge [sflag:s24], $0x4000  }
0x96: {  	[sflag:s24] =	ssyncset.done $0x0  }
0x97: {  	[sflag:s24] =	ssyncadd.s32 $0xFFFFC000  }
0x98: {  	[bflag:$0x0] =	sbarrier.arrive $0xFFFF  }
0x99: {  	s30 =	rddreg [dreg:$0x4]  }
0x9a: {  	[hbm:s30], [sflag:s7] =	dma.local [spmem:s14], $0x2800  }
0x9b: {  	_ =	swait.ge [sflag:s15], $0x2800  }
0x9c: {  	s25 =	sadd.s32 $0x1, s25;
	s31 =	rddreg [dreg:$0x5]  }
0x9d: {  	p0 =	sne.s32 s25, s31  }
.Ltmp1:
0x9e: {  	_ = 	snop;
	(pc) =	sbr.rel @p0 .LBB2_1-.Ltmp1, $3  }
0x9f: {  	_ =	sdelay $0x1  }
0xa0: {  	[sflag:s15] =	ssyncset.done $0x0  }
0xa1: {  	[sflag:s15] =	ssyncadd.s32 $0xFFFFD800  }
0xa2: {  	_ =	sfence.sel $0x180000  }
0xa3: {  	[bflag:$0x0] =	sbarrier.arrive $0xFFFF  }
0xa4: {  	_ =	strace $0x9000004A  }
0xa5: {  	s0 =	stileid.u32;
	[bflag:$0x2] =	sbarrier.arrive $0xFFFF  }
0xa6: {  	p0 =	sne.s32 s0, $0x0;
	s0 =	rddreg [dreg:$0x2]  }
0xa7: {  	s0 =	sadd.s32 @!p0 $0x100000, s0  }
0xa8: {  	[sflag:s0] =	ssyncadd.tile.s32 @!p0 $0x1;
	_ =	shalt  }
.Lfunc_end2:
_tile_overlayer_lowered:
.L_overlay_start_2:
0xa9: {  	(tag) =	ssettag $0x2  }
0xaa: {  	s0 =	rddreg [dreg:$0x0];
	s2 =	stileid.u32  }
0xab: {  	s1 =	rddreg [dreg:$0x1];
	p0 =	sne.s32 s2, $0x0  }
0xac: {  	s3 =	rddreg [dreg:$0x2];
	[bflag:$0x3] =	sbarrier.arrive $0xFFFF;
	s2 =	simm.s32 @!p0 $0x1C03  }
0xad: {  	[timem:s3], [sflag:s2] =	dma.local @!p0 [hbm:s0], s1  }
0xae: {  	s0 =	simm.s32 @!p0 $0x3  }
0xaf: {  	_ =	swait.ge @!p0 [sflag:s0], s1  }
0xb0: {  	s1 =	ssub.s32 @!p0 $0x0, s1;
	[sflag:s0] =	ssyncset.done @!p0 $0x0  }
0xb1: {  	[sflag:s0] =	ssyncadd.s32 @!p0 s1  }
0xb2: {  	[bflag:$0x3] =	sbarrier.arrive $0xFFFF  }
0xb3: {  	_ =	shalt  }

// kernel: kernel.14.cloned.1.call-start
scs
__scs_entry_jumppad:
0x0: {  	(pc) =	sbr.rel $0x88, $3  }
0x1: {  	(tag) =	ssettag $0x0;
	lr =	simm.s32 $0x1  }
0x2: {  	[smem:$0x3F98] =	sst lr;
	_ =	strace $0xD0000000  }
0x3: {  	_ = 	snop  }
0x4: {  	_ = 	snop  }
0x5: {  	_ = 	snop  }
0x6: {  	_ = 	snop  }
0x7: {  	_ = 	snop  }
__scs_overlays_trampoline_lowered:
0x8: {  	[smem:$0x3FA7] =	sst s0  }
0x9: {  	[smem:$0x3FA8] =	sst s1  }
0xa: {  	[smem:$0x3FA9] =	sst s2  }
0xb: {  	[smem:$0x3FAA] =	sst s3  }
0xc: {  	[smem:$0x3FAB] =	sst s4  }
0xd: {  	[smem:$0x3FAC] =	sst s5  }
0xe: {  	[smem:$0x3FAD] =	sst s6  }
0xf: {  	[smem:$0x3FAE] =	sst s7  }
0x10: {  	[smem:$0x3FAF] =	sst s8  }
0x11: {  	[smem:$0x3FB0] =	sst s9;
	s0 =	simm.s32 @!p0 $0x0  }
0x12: {  	s1 =	sld [smem:$0x3F96];
	s0 =	simm.s32 @p0 $0x1  }
0x13: {  	[smem:$0x3FB1] =	sst s0;
	s0 =	simm.s32 @!p1 $0x0  }
0x14: {  	s2 =	sld [smem:$0x3F95];
	s0 =	simm.s32 @p1 $0x1  }
0x15: {  	[smem:$0x3FB2] =	sst s0;
	s0 =	simm.s32 @!p2 $0x0  }
0x16: {  	s3 =	sld [smem:$0x3FDB];
	s0 =	simm.s32 @p2 $0x1  }
0x17: {  	s4 =	simm.s32 $0x1BF5;
	[smem:$0x3FB4] =	sst s0  }
0x18: {  	s0 =	sld [smem:$0x3F97];
	_ =	swait.ge [sflag:s4], $0x0  }
0x19: {  	s7 =	sld [smem:$0x3F98]  }
0x1a: {  	s8 =	sadd.s32 $0xFFFFE003, lr  }
0x1b: {  	s9 =	sadd.s32 $0xFFFFFEF7, lr;
	s5 =	simm.s32 $0xFFFFFFFF;
	p2 =	slt.u32 s8, $0xFFFFF086  }
0x1c: {  	p1 =	slt.u32 s9, $0xF7A;
	s5 =	simm.s32 @!p2 $0x0  }
0x1d: {  	s5 =	simm.s32 @p1 $0x1;
	p0 =	seq.s32 s7, s2  }
0x1e: {  	s7 =	smul.u32 @!p0 $0xF7A, s2;
	p2 =	seq.s32 @!p0 s5, $0x0  }
0x1f: {  	s9 =	smul.u32 $0xF7A, s1;
	s8 =	simm.s32 @!p0 $0x1BF5;
	p2 =	por !p2, p0  }
0x20: {  	[sflag:s8] =	ssyncset.s32 @!p0 $0xFFFFF086;
	s6 =	sadd.s32 @!p0 s3, s7;
	s7 =	simm.s32 @!p0 $0x108  }
0x21: {  	s3 =	sadd.s32 s3, s9;
	s6 =	sadd.s32 @!p0 $0x88, s6;
	s7 =	simm.s32 @p2 $0x1082  }
0x22: {  	[simem:s7], [sflag:s8] =	dma.local @!p0 [hbm:s6], $0xF7A  }
0x23: {  	s9 =	sor.u32 $0xD0000000, s2;
	s6 =	simm.s32 $0x108;
	_ =	swait.ge @!p0 [sflag:s8], $0x0  }
0x24: {  	s3 =	sadd.s32 $0x88, s3;
	s6 =	simm.s32 @!p1 $0x1082;
	[sflag:s4] =	ssyncset.s32 $0xFFFFF086  }
0x25: {  	[simem:s6], [sflag:s4] =	dma.local [hbm:s3], $0xF7A  }
0x26: {  	[smem:$0x3F98] =	sst s1;
	(tag) =	ssettag s2;
	_ =	strace s9  }
0x27: {  	s1 =	sld [smem:$0x3FA8]  }
0x28: {  	s2 =	sld [smem:$0x3FA9]  }
0x29: {  	s4 =	sld [smem:$0x3FAB]  }
0x2a: {  	p0 =	seq.s32 s5, $0x0;
	s5 =	sld [smem:$0x3FAC]  }
0x2b: {  	s6 =	sld [smem:$0x3FAD]  }
0x2c: {  	s7 =	sld [smem:$0x3FAE]  }
0x2d: {  	s3 =	simm.s32 $0x108;
	s8 =	sld [smem:$0x3FAF]  }
0x2e: {  	s3 =	simm.s32 @!p0 $0x1082;
	s9 =	sld [smem:$0x3FB0]  }
0x2f: {  	lr =	sadd.s32 s0, s3;
	s0 =	sld [smem:$0x3FA7]  }
0x30: {  	s3 =	sld [smem:$0x3FAA]  }
0x31: {  	[smem:$0x3FB3] =	sst s10  }
0x32: {  	s10 =	sld [smem:$0x3FB1];
	_ =	sdelay $0x3  }
0x33: {  	p0 =	seq.s32 s10, $0x1;
	s10 =	sld [smem:$0x3FB3];
	_ =	sdelay $0x3  }
0x34: {  	[smem:$0x3FB3] =	sst s10  }
0x35: {  	s10 =	sld [smem:$0x3FB2];
	_ =	sdelay $0x3  }
0x36: {  	p1 =	seq.s32 s10, $0x1;
	s10 =	sld [smem:$0x3FB3];
	_ =	sdelay $0x3  }
0x37: {  	[smem:$0x3FB3] =	sst s10  }
0x38: {  	s10 =	sld [smem:$0x3FB4]  }
0x39: {  	_ = 	snop;
	(pc) =	sbr.ind lr, $3  }
0x3a: {  	_ = 	snop  }
0x3b: {  	_ = 	snop  }
0x3c: {  	p2 =	seq.s32 s10, $0x1;
	s10 =	sld [smem:$0x3FB3]  }
0x3d: {  	_ =	shalt  }
0x3e: {  	_ =	shalt  }
0x3f: {  	_ =	shalt  }
0x40: {  	_ =	shalt  }
0x41: {  	_ =	shalt  }
0x42: {  	_ =	shalt  }
0x43: {  	_ =	shalt  }
0x44: {  	_ =	shalt  }
0x45: {  	_ =	shalt  }
0x46: {  	_ =	shalt  }
0x47: {  	_ =	shalt  }
0x48: {  	_ =	shalt  }
0x49: {  	_ =	shalt  }
0x4a: {  	_ =	shalt  }
0x4b: {  	_ =	shalt  }
0x4c: {  	_ =	shalt  }
0x4d: {  	_ =	shalt  }
0x4e: {  	_ =	shalt  }
0x4f: {  	_ =	shalt  }
0x50: {  	_ =	shalt  }
0x51: {  	_ =	shalt  }
0x52: {  	_ =	shalt  }
0x53: {  	_ =	shalt  }
0x54: {  	_ =	shalt  }
0x55: {  	_ =	shalt  }
0x56: {  	_ =	shalt  }
0x57: {  	_ =	shalt  }
0x58: {  	_ =	shalt  }
0x59: {  	_ =	shalt  }
0x5a: {  	_ =	shalt  }
0x5b: {  	_ =	shalt  }
0x5c: {  	_ =	shalt  }
0x5d: {  	_ =	shalt  }
0x5e: {  	_ =	shalt  }
0x5f: {  	_ =	shalt  }
0x60: {  	_ =	shalt  }
0x61: {  	_ =	shalt  }
0x62: {  	_ =	shalt  }
0x63: {  	_ =	shalt  }
0x64: {  	_ =	shalt  }
0x65: {  	_ =	shalt  }
0x66: {  	_ =	shalt  }
0x67: {  	_ =	shalt  }
0x68: {  	_ =	shalt  }
0x69: {  	_ =	shalt  }
0x6a: {  	_ =	shalt  }
0x6b: {  	_ =	shalt  }
0x6c: {  	_ =	shalt  }
0x6d: {  	_ =	shalt  }
0x6e: {  	_ =	shalt  }
0x6f: {  	_ =	shalt  }
0x70: {  	_ =	shalt  }
0x71: {  	_ =	shalt  }
0x72: {  	_ =	shalt  }
0x73: {  	_ =	shalt  }
0x74: {  	_ =	shalt  }
0x75: {  	_ =	shalt  }
0x76: {  	_ =	shalt  }
0x77: {  	_ =	shalt  }
0x78: {  	_ =	shalt  }
0x79: {  	_ =	shalt  }
0x7a: {  	_ =	shalt  }
0x7b: {  	_ =	shalt  }
0x7c: {  	_ =	shalt  }
0x7d: {  	_ =	shalt  }
0x7e: {  	_ =	shalt  }
0x7f: {  	_ =	shalt  }
0x80: {  	_ =	shalt  }
0x81: {  	_ =	shalt  }
0x82: {  	_ =	shalt  }
0x83: {  	_ =	shalt  }
0x84: {  	_ =	shalt  }
0x85: {  	_ =	shalt  }
0x86: {  	_ =	shalt  }
0x87: {  	_ =	shalt  }
.Lfunc_end0:
.L_simem_size_0:
called_computation.2_lowered:
.L_overlay_start_0:
0x88: {  	s2 =	sld [smem:$0x3FD9]  }
0x89: {  	s3 =	sld [smem:$0x3FFE];
	_ =	sdelay $0x1  }
0x8a: {  	s1 =	srdreg.scid  }
0x8b: {  	s0 =	sand.u32 $0x1, s1  }
0x8c: {  	s16 =	sshll.u32 s0, $0xA;
	s2 =	sadd.s32 s3, s2  }
0x8d: {  	s2 =	sadd.s32 s2, s16  }
0x8e: {  	[smem:$0x3FBF] =	sst s2  }
0x8f: {  	_ = 	snop  }
0x90: {  	(tm) =	ssettm $0x1  }
0x91: {  	s17 =	sld [smem:$0x3FFB];
	_ =	sdelay $0x3  }
0x92: {  	_ =	strace s17  }
0x93: {  	s2 =	sld [smem:$0x3FFC];
	_ =	sdelay $0x3  }
0x94: {  	_ =	strace s2  }
0x95: {  	s2 =	sld [smem:$0x3FFD];
	_ =	sdelay $0x3  }
0x96: {  	_ =	strace s2  }
0x97: {  	_ =	strace $0x8FFFFFFF  }
0x98: {  	s18 =	sld [smem:$0x3FDB];
	_ =	sdelay $0x1  }
0x99: {  	s19 =	simm.s32 $_scs_section_size  }
0x9a: {  	s4 =	simm.s32 $_size__tile_overlayer_lowered;
	s5 =	simm.s32 $_tile_overlayer_lowered  }
0x9b: {  	s22 =	simm.s32 $0x1BFF;
	s21 =	sshll.u32 s5, $0x1;
	s2 =	sadd.s32 s19, s18  }
0x9c: {  	s6 =	simm.s32 $0x0;
	s20 =	sshll.u32 s4, $0x1;
	s4 =	sadd.s32 s21, s2  }
0x9d: {  	[timem:s6], [sflag:s22] =	dma.local [hbm:s4], s20  }
0x9e: {  	_ =	swait.ge [sflag:s22], s20  }
0x9f: {  	s3 =	ssub.s32 $0x0, s20;
	[sflag:s22] =	ssyncset.done $0x0  }
0xa0: {  	[sflag:s22] =	ssyncadd.s32 s3;
	_ =	sdelay $0x1  }
0xa1: {  	s23 =	simm.s32 $0x1B8B  }
0xa2: {  	_ =	swait.ge [sflag:s23], $0x1  }
0xa3: {  	[sflag:s23] =	ssyncset.done $0x0  }
0xa4: {  	s25 =	simm.s32 $0x1B8E;
	s24 =	sld [smem:$0x3FFE];
	[sflag:s23] =	ssyncadd.s32 $0xFFFFFFFF  }
0xa5: {  	s26 =	simm.s32 $execute0_lowered;
	[smem:$0x3FD2] =	sst s25  }
0xa6: {  	s4 =	sshll.u32 s26, $0x1;
	_ =	strace $0x8000004C;
	[dreg:$0x1] =	wrdreg $0xFFFFFFFF  }
0xa7: {  	s28 =	simm.s32 $_size_execute0_lowered;
	s2 =	sadd.s32 s2, s4;
	[dreg:$0x0] =	wrdreg $0x0  }
0xa8: {  	s4 =	sshll.u32 s28, $0x1;
	[dreg:$0x2] =	wrdreg s2  }
0xa9: {  	[dreg:$0x3] =	wrdreg s4  }
0xaa: {  	[dreg:$0x4] =	wrdreg $0xC0  }
0xab: {  	_ =	task [dreg:s6], $0x5FFFF  }
0xac: {  	[dreg:$0x1] =	wrdreg $0xFFFFFFFF  }
0xad: {  	[dreg:$0x0] =	wrdreg $0x60  }
0xae: {  	[dreg:$0x2] =	wrdreg s24  }
0xaf: {  	[dreg:$0x3] =	wrdreg $0x81800  }
0xb0: {  	[dreg:$0x4] =	wrdreg $0x9  }
0xb1: {  	_ =	task.clear_ibuf [dreg:s6], $0x5FFFF;
	_ =	strace $0x9000004C  }
0xb2: {  	s29 =	simm.s32 $0x9;
	_ =	strace $0x8000004E  }
0xb3: {  	_ =	swait.ge [sflag:s29], $0x1  }
0xb4: {  	[sflag:s29] =	ssyncadd.s32 $0xFFFFFFFF  }
0xb5: {  	_ =	strace $0x9000004E  }
0xb6: {  	_ =	sfence  }
0xb7: {  	s30 =	sld [smem:$0x0];
	_ =	sdelay $0x2  }
0xb8: {  	s31 =	sshll.u32 s1, $0xD;
	s1 =	sshrl.u32 s1, $0x2  }
0xb9: {  	s3 =	sand.u32 $0x4000, s31;
	s1 =	sadd.s32 s1, s30  }
0xba: {  	s0 =	sor.u32 s3, s0;
	s1 =	sshll.u32 s1, $0x11  }
0xbb: {  	s0 =	sor.u32 s1, s0  }
0xbc: {  	s0 =	sadd.s32 $0x8F2B, s0  }
0xbd: {  	[sflag:s0] =	ssyncadd.remote.s32 $0x1  }
0xbe: {  	_ =	sfence.sel $0xFFFF  }
0xbf: {  	[dreg:$0x0] =	wrdreg $0xFFFFFFFF;
	(pc) =	sbr.abs _section_cstart, $3  }
0xc0: {  	[dreg:$0x1] =	wrdreg $0xFFFFFFFF  }
0xc1: {  	_ =	task.clear_ibuf [dreg:s6], $0x2FFFF;
	_ =	strace $0x9FFFFFFF  }
0xc2: {  	(tm) =	ssettm $0x7FFFFFFF  }
0xc3: {  	_ =	shalt  }
tec
execute0_lowered:
.L_overlay_start_1:
0x0: {  	(tag) =	ssettag $0x1  }
0x1: {  	s1 =	rddreg [dreg:$0x0]  }
0x2: {  	s3 =	srdreg.scid;
	s0 =	stileid.u32  }
0x3: {  	s2 =	rddreg [dreg:$0x1];
	s20 =	simm.s32 $0x80;
	s7 =	smul.u32 $0x14000, s0  }
0x4: {  	s8 =	sand.u32 $0x1, s3;
	s3 =	simm.s32 $0x0;
	s13 =	smul.u32 $0x50000, s0  }
0x5: {  	s4 =	sadd.s32 $0x71C00, s1;
	s12 =	sadd.s32 $0x3800, s1;
	s15 =	smul.u32 $0x2780, s0  }
0x6: {  	s23 =	sshll.u32 s0, $0x6;
	s5 =	smul.u32 $0x140000, s8;
	[smem:$0x7FF] =	sst s3  }
0x7: {  	s21 =	ssub.s32 $0x2, s8;
	s11 =	sshll.u32 s8, $0x4;
	s25 =	smul.u32 $0x27800, s8  }
0x8: {  	_ =	strace $0x8000004D;
	s10 =	sshrl.u32 s21, $0x1;
	s22 =	sor.u32 s0, s11  }
0x9: {  	s14 =	sadd.s32 s7, s2;
	s24 =	sshrl.u32 s13, $0x2;
	s6 =	sadd.s32 s7, s5  }
0xa: {  	s5 =	sadd.s32 $0x17E00, s1;
	s10 =	ssub.s32 s21, s10;
	s7 =	sor.u32 $0x1C03, s23  }
0xb: {  	s11 =	sadd.s32 s24, s2;
	s30 =	sadd.s32 s15, s25;
	s14 =	sshrl.u32 s14, $0x3  }
0xc: {  	s15 =	simm.s32 $0x3;
	s21 =	simm.s32 $0x180;
	s23 =	simm.s32 $0x100  }
0xd: {  	s24 =	simm.s32 $0x4;
	s25 =	simm.s32 $0x0;
	s9 =	sshrl.u32 s6, $0x3  }
0xe: {  	s6 =	sadd.s32 $0xD600, s1;
	s16 =	sadd.s32 $0x4000, s11;
	s17 =	sadd.s32 $0x8000, s11  }
0xf: {  	s18 =	sadd.s32 $0xC000, s11;
	s19 =	sadd.s32 $0x10000, s11;
	s31 =	smax.u32 s10, $0x1  }
0x10: {  	s13 =	sshrl.u32 s30, $0x3;
	s1 =	sadd.s32 s9, s1;
	s9 =	smul.u32 $0x2780, s22  }
0x11: {  	[dreg:$0x5] =	wrdreg s31;
	s16 =	sshrl.u32 s16, $0x3;
	s17 =	sshrl.u32 s17, $0x3  }
0x12: {  	s18 =	sshrl.u32 s18, $0x3;
	s19 =	sshrl.u32 s19, $0x3;
	s29 =	sadd.s32 $0x99C00, s1  }
0x13: {  	s22 =	simm.s32 $0x1;
	s26 =	sshrl.u32 s9, $0x3;
	[dreg:$0x4] =	wrdreg s29  }
0x14: {  	s28 =	sadd.s32 s5, s26;
	s11 =	sadd.s32 s12, s26;
	s12 =	sadd.s32 s13, s12  }
0x15: {  	s13 =	sadd.s32 $0x80, s30;
	[dreg:$0x3] =	wrdreg s28;
	s11 =	sadd.s32 $0x4E0, s11  }
.LBB2_1:
0x16: {  	[spmem:s14], [sflag:s7] =	dma.local [hbm:s6], $0x800  }
0x17: {  	_ =	swait.ge [sflag:s15], $0x800  }
0x18: {  	[sflag:s15] =	ssyncset.done $0x0  }
0x19: {  	[sflag:s15] =	ssyncadd.s32 $0xFFFFF800  }
0x1a: {  	[spmem:s16], [sflag:s7] =	dma.local [hbm:s6], $0x800  }
0x1b: {  	_ =	swait.ge [sflag:s15], $0x800  }
0x1c: {  	[sflag:s15] =	ssyncset.done $0x0  }
0x1d: {  	[sflag:s15] =	ssyncadd.s32 $0xFFFFF800  }
0x1e: {  	[spmem:s17], [sflag:s7] =	dma.local [hbm:s6], $0x800  }
0x1f: {  	_ =	swait.ge [sflag:s15], $0x800  }
0x20: {  	[sflag:s15] =	ssyncset.done $0x0  }
0x21: {  	[sflag:s15] =	ssyncadd.s32 $0xFFFFF800  }
0x22: {  	[spmem:s18], [sflag:s7] =	dma.local [hbm:s6], $0x800  }
0x23: {  	_ =	swait.ge [sflag:s15], $0x800  }
0x24: {  	[sflag:s15] =	ssyncset.done $0x0  }
0x25: {  	[sflag:s15] =	ssyncadd.s32 $0xFFFFF800  }
0x26: {  	[spmem:s19], [sflag:s7] =	dma.local [hbm:s6], $0x800  }
0x27: {  	_ =	swait.ge [sflag:s15], $0x800  }
0x28: {  	[sflag:s15] =	ssyncset.done $0x0  }
0x29: {  	[sflag:s15] =	ssyncadd.s32 $0xFFFFF800  }
0x2a: {  	[bflag:$0x0] =	sbarrier.arrive $0xFFFF  }
0x2b: {  	s0 =	rddreg [dreg:$0x3]  }
0x2c: {  	[tilespmem:s3], [sflag:$0x3] =	stream.linear.gather [hbm4b:s0+s3], $0x80, $0x38;
	[tilespmem:$0x1C180] =	vst v63  }
0x2d: {  	s1 =	sand.u32 $0x1, s3;
	_ =	swait.ge [sflag:s15], $0x80  }
0x2e: {  	p0 =	seq.s32 s1, $0x1;
	[sflag:s15] =	ssyncset.done $0x0  }
0x2f: {  	s1 =	sshrl.u32 @p0 s13, $0x3;
	[sflag:s15] =	ssyncadd.s32 $0xFFFFFF80  }
0x30: {  	[tilespmem:s21], [sflag:$0x1] =	stream.indirect.gather [hbm4b:s4+s20], $0x80, s3, s20, $0xb8;
	[tilespmem:$0x1C180] =	vst v63  }
0x31: {  	s26 =	simm.s32 @p0 $0x0;
	s28 =	simm.s32 @p0 $0x4;
	s1 =	sadd.s32 @p0 s5, s1  }
0x32: {  	[tilespmem:s26], [sflag:$0x4] =	stream.linear.gather @p0 [hbm4b:s1+s26], $0x80, $0x38;
	[tilespmem:$0x1C180] =	vst v63  }
0x33: {  	_ =	swait.ge @p0 [sflag:s28], $0x80  }
0x34: {  	s29 =	simm.s32 @p0 $0x80;
	[sflag:s28] =	ssyncset.done @p0 $0x0  }
0x35: {  	s30 =	simm.s32 @p0 $0x180;
	s1 =	simm.s32 @p0 $0x2;
	[sflag:s28] =	ssyncadd.s32 @p0 $0xFFFFFF80  }
0x36: {  	[tilespmem:s30], [sflag:$0x1] =	stream.indirect.gather @p0 [hbm4b:s4+s29], $0x80, s26, s29, $0xb8;
	[tilespmem:$0x1C180] =	vst v63  }
0x37: {  	_ =	swait.ge @p0 [sflag:s1], $0x4000  }
0x38: {  	[sflag:s1] =	ssyncset.done @p0 $0x0  }
0x39: {  	[sflag:s1] =	ssyncadd.s32 @p0 $0xFFFFC000;
	s1 =	simm.s32 @p0 $0x100  }
0x3a: {  	[tilespmem:s1], [sflag:$0x4] =	stream.linear.gather @p0 [hbm4b:s12+s26], $0x80, $0x38;
	[tilespmem:$0x1C180] =	vst v63  }
0x3b: {  	_ =	swait.ge @p0 [sflag:s28], $0x80  }
0x3c: {  	s30 =	simm.s32 @!p0 $0x4;
	[sflag:s28] =	ssyncset.done @p0 $0x0  }
0x3d: {  	s26 =	sshrl.u32 @!p0 s13, $0x3;
	[sflag:s28] =	ssyncadd.s32 @p0 $0xFFFFFF80;
	s28 =	simm.s32 @p0 $0x4180  }
0x3e: {  	[spmem:s2] =	stream.indirect.scatter.add.f32 @p0 [tilespmem:s28], [sflag:$0x3], $0x80, s1, s29, $0xb8;
	[tilespmem:$0x1C180] =	vst v63  }
0x3f: {  	s26 =	sadd.s32 @!p0 s5, s26;
	s1 =	simm.s32 @!p0 $0x0;
	s28 =	simm.s32 @!p0 $0x80  }
0x40: {  	[tilespmem:s28], [sflag:$0x4] =	stream.linear.gather @!p0 [hbm4b:s26+s1], $0x80, $0x38;
	[tilespmem:$0x1C180] =	vst v63  }
0x41: {  	_ =	swait.ge @!p0 [sflag:s30], $0x80  }
0x42: {  	[sflag:s30] =	ssyncset.done @!p0 $0x0  }
0x43: {  	s29 =	simm.s32 @!p0 $0x1;
	s26 =	simm.s32 @!p0 $0x4180;
	[sflag:s30] =	ssyncadd.s32 @!p0 $0xFFFFFF80  }
0x44: {  	[tilespmem:s26], [sflag:$0x2] =	stream.indirect.gather @!p0 [hbm4b:s4+s28], $0x80, s28, s28, $0xb8;
	[tilespmem:$0x1C180] =	vst v63  }
0x45: {  	_ =	swait.ge @!p0 [sflag:s29], $0x4000  }
0x46: {  	[sflag:s29] =	ssyncset.done @!p0 $0x0  }
0x47: {  	s31 =	simm.s32 @!p0 $0x100;
	[sflag:s29] =	ssyncadd.s32 @!p0 $0xFFFFC000  }
0x48: {  	[tilespmem:s31], [sflag:$0x4] =	stream.linear.gather @!p0 [hbm4b:s12+s1], $0x80, $0x38;
	[tilespmem:$0x1C180] =	vst v63  }
0x49: {  	s10 =	simm.s32 $0x1;
	s0 =	simm.s32 @!p0 $0x180;
	_ =	swait.ge @!p0 [sflag:s30], $0x80  }
0x4a: {  	s26 =	sadd.s32 $0x10, s12;
	s29 =	simm.s32 $0x2;
	[sflag:s30] =	ssyncset.done @!p0 $0x0  }
0x4b: {  	s1 =	sand.u32 $0x1, s10;
	[sflag:s30] =	ssyncadd.s32 @!p0 $0xFFFFFF80;
	s30 =	simm.s32 @p0 $0x3  }
0x4c: {  	[spmem:s2] =	stream.indirect.scatter.add.f32 @!p0 [tilespmem:s0], [sflag:$0x4], $0x80, s31, s28, $0xb8;
	[tilespmem:$0x1C180] =	vst v63  }
0x4d: {  	p0 =	seq.s32 s1, $0x1;
	s28 =	sadd.s32 $0x80, s13;
	_ =	swait.ge [sflag:s30], $0x4000  }
0x4e: {  	s31 =	sshrl.u32 @p0 s28, $0x3;
	s1 =	simm.s32 @p0 $0x0;
	[sflag:s30] =	ssyncset.done $0x0  }
.LBB2_2:
0x4f: {  	s0 =	sadd.s32 @p0 s5, s31  }
0x50: {  	s8 =	simm.s32 @p0 $0x4;
	[sflag:s30] =	ssyncadd.s32 $0xFFFFC000;
	s31 =	smov.u32 s29  }
0x51: {  	[tilespmem:s1], [sflag:$0x4] =	stream.linear.gather @p0 [hbm4b:s0+s1], $0x80, $0x38;
	[tilespmem:$0x1C180] =	vst v63  }
0x52: {  	s29 =	sadd.s32 $0x1, s29;
	s0 =	sshrl.u32 @!p0 s28, $0x3;
	_ =	swait.ge @p0 [sflag:s8], $0x80  }
0x53: {  	s30 =	simm.s32 @p0 $0x2;
	s0 =	sadd.s32 @!p0 s5, s0;
	[sflag:s8] =	ssyncset.done @p0 $0x0  }
0x54: {  	s9 =	simm.s32 @p0 $0x80;
	s10 =	simm.s32 @p0 $0x180;
	[sflag:s8] =	ssyncadd.s32 @p0 $0xFFFFFF80  }
0x55: {  	[tilespmem:s10], [sflag:$0x1] =	stream.indirect.gather @p0 [hbm4b:s4+s9], $0x80, s1, s9, $0xb8;
	[tilespmem:$0x1C180] =	vst v63  }
0x56: {  	p1 =	sne.s32 s29, $0x4E;
	_ =	swait.ge @p0 [sflag:s30], $0x4000  }
0x57: {  	[sflag:s30] =	ssyncset.done @p0 $0x0  }
0x58: {  	s10 =	simm.s32 @p0 $0x100;
	[sflag:s30] =	ssyncadd.s32 @p0 $0xFFFFC000  }
0x59: {  	[tilespmem:s10], [sflag:$0x4] =	stream.linear.gather @p0 [hbm4b:s26+s1], $0x80, $0x38;
	[tilespmem:$0x1C180] =	vst v63  }
0x5a: {  	_ =	swait.ge @p0 [sflag:s8], $0x80  }
0x5b: {  	[sflag:s8] =	ssyncset.done @p0 $0x0  }
0x5c: {  	s1 =	simm.s32 @p0 $0x4180;
	[sflag:s8] =	ssyncadd.s32 @p0 $0xFFFFFF80  }
0x5d: {  	[spmem:s2] =	stream.indirect.scatter.add.f32 @p0 [tilespmem:s1], [sflag:$0x3], $0x80, s10, s9, $0xb8;
	[tilespmem:$0x1C180] =	vst v63  }
0x5e: {  	s30 =	simm.s32 @!p0 $0x4;
	s8 =	simm.s32 @!p0 $0x80;
	s1 =	simm.s32 @!p0 $0x0  }
0x5f: {  	[tilespmem:s8], [sflag:$0x4] =	stream.linear.gather @!p0 [hbm4b:s0+s1], $0x80, $0x38;
	[tilespmem:$0x1C180] =	vst v63  }
0x60: {  	_ =	swait.ge @!p0 [sflag:s30], $0x80  }
0x61: {  	[sflag:s30] =	ssyncset.done @!p0 $0x0  }
0x62: {  	s9 =	simm.s32 @!p0 $0x1;
	s0 =	simm.s32 @!p0 $0x4180;
	[sflag:s30] =	ssyncadd.s32 @!p0 $0xFFFFFF80  }
0x63: {  	[tilespmem:s0], [sflag:$0x2] =	stream.indirect.gather @!p0 [hbm4b:s4+s8], $0x80, s8, s8, $0xb8;
	[tilespmem:$0x1C180] =	vst v63  }
0x64: {  	_ =	swait.ge @!p0 [sflag:s9], $0x4000  }
0x65: {  	[sflag:s9] =	ssyncset.done @!p0 $0x0  }
0x66: {  	s0 =	simm.s32 @!p0 $0x100;
	[sflag:s9] =	ssyncadd.s32 @!p0 $0xFFFFC000  }
0x67: {  	[tilespmem:s0], [sflag:$0x4] =	stream.linear.gather @!p0 [hbm4b:s26+s1], $0x80, $0x38;
	[tilespmem:$0x1C180] =	vst v63  }
0x68: {  	s26 =	sadd.s32 $0x10, s26;
	_ =	swait.ge @!p0 [sflag:s30], $0x80  }
.Ltmp0:
0x69: {  	s1 =	simm.s32 @!p0 $0x180;
	[sflag:s30] =	ssyncset.done @!p0 $0x0;
	(pc) =	sbr.rel @p1 .LBB2_2-.Ltmp0, $4  }
0x6a: {  	s9 =	sand.u32 $0x1, s31;
	[sflag:s30] =	ssyncadd.s32 @!p0 $0xFFFFFF80;
	s30 =	simm.s32 @p0 $0x3  }
0x6b: {  	[spmem:s2] =	stream.indirect.scatter.add.f32 @!p0 [tilespmem:s1], [sflag:$0x4], $0x80, s0, s8, $0xb8;
	[tilespmem:$0x1C180] =	vst v63  }
0x6c: {  	s28 =	sadd.s32 $0x80, s28;
	p0 =	seq.s32 s9, $0x1;
	_ =	swait.ge [sflag:s30], $0x4000  }
0x6d: {  	s31 =	sshrl.u32 @p0 s28, $0x3;
	s1 =	simm.s32 @p0 $0x0;
	[sflag:s30] =	ssyncset.done $0x0  }
0x6e: {  	s0 =	sadd.s32 @p0 s5, s31;
	s8 =	simm.s32 @p0 $0x4;
	[sflag:s30] =	ssyncadd.s32 $0xFFFFC000  }
0x6f: {  	[tilespmem:s1], [sflag:$0x4] =	stream.linear.gather @p0 [hbm4b:s0+s1], $0x80, $0x38;
	[tilespmem:$0x1C180] =	vst v63  }
0x70: {  	_ =	swait.ge @p0 [sflag:s8], $0x80  }
0x71: {  	s9 =	simm.s32 @p0 $0x80;
	[sflag:s8] =	ssyncset.done @p0 $0x0  }
0x72: {  	s10 =	simm.s32 @p0 $0x180;
	s0 =	simm.s32 @p0 $0x2;
	[sflag:s8] =	ssyncadd.s32 @p0 $0xFFFFFF80  }
0x73: {  	[tilespmem:s10], [sflag:$0x1] =	stream.indirect.gather @p0 [hbm4b:s4+s9], $0x80, s1, s9, $0xb8;
	[tilespmem:$0x1C180] =	vst v63  }
0x74: {  	_ =	swait.ge @p0 [sflag:s0], $0x4000  }
0x75: {  	[sflag:s0] =	ssyncset.done @p0 $0x0  }
0x76: {  	[sflag:s0] =	ssyncadd.s32 @p0 $0xFFFFC000;
	s0 =	simm.s32 @p0 $0x100  }
0x77: {  	[tilespmem:s0], [sflag:$0x4] =	stream.linear.gather @p0 [hbm4b:s26+s1], $0x80, $0x38;
	[tilespmem:$0x1C180] =	vst v63  }
0x78: {  	_ =	swait.ge @p0 [sflag:s8], $0x80  }
0x79: {  	s1 =	sshrl.u32 @!p0 s28, $0x3;
	[sflag:s8] =	ssyncset.done @p0 $0x0  }
0x7a: {  	s1 =	sadd.s32 @!p0 s5, s1;
	[sflag:s8] =	ssyncadd.s32 @p0 $0xFFFFFF80;
	s8 =	simm.s32 @p0 $0x4180  }
0x7b: {  	[spmem:s2] =	stream.indirect.scatter.add.f32 @p0 [tilespmem:s8], [sflag:$0x3], $0x80, s0, s9, $0xb8;
	[tilespmem:$0x1C180] =	vst v63  }
0x7c: {  	s0 =	simm.s32 @!p0 $0x0;
	s8 =	simm.s32 @!p0 $0x80;
	s9 =	simm.s32 @!p0 $0x4  }
0x7d: {  	[tilespmem:s8], [sflag:$0x4] =	stream.linear.gather @!p0 [hbm4b:s1+s0], $0x80, $0x38;
	[tilespmem:$0x1C180] =	vst v63  }
0x7e: {  	_ =	swait.ge @!p0 [sflag:s9], $0x80  }
0x7f: {  	[sflag:s9] =	ssyncset.done @!p0 $0x0  }
0x80: {  	s10 =	simm.s32 @!p0 $0x1;
	s1 =	simm.s32 @!p0 $0x4180;
	[sflag:s9] =	ssyncadd.s32 @!p0 $0xFFFFFF80  }
0x81: {  	[tilespmem:s1], [sflag:$0x2] =	stream.indirect.gather @!p0 [hbm4b:s4+s8], $0x80, s8, s8, $0xb8;
	[tilespmem:$0x1C180] =	vst v63  }
0x82: {  	_ =	swait.ge @!p0 [sflag:s10], $0x4000  }
0x83: {  	[sflag:s10] =	ssyncset.done @!p0 $0x0  }
0x84: {  	s1 =	simm.s32 @!p0 $0x100;
	[sflag:s10] =	ssyncadd.s32 @!p0 $0xFFFFC000  }
0x85: {  	[tilespmem:s1], [sflag:$0x4] =	stream.linear.gather @!p0 [hbm4b:s26+s0], $0x80, $0x38;
	[tilespmem:$0x1C180] =	vst v63  }
0x86: {  	_ =	swait.ge @!p0 [sflag:s9], $0x80  }
0x87: {  	[sflag:s9] =	ssyncset.done @!p0 $0x0  }
0x88: {  	s0 =	simm.s32 @!p0 $0x180;
	[sflag:s9] =	ssyncadd.s32 @!p0 $0xFFFFFF80;
	s9 =	simm.s32 @p0 $0x3  }
0x89: {  	[spmem:s2] =	stream.indirect.scatter.add.f32 @!p0 [tilespmem:s0], [sflag:$0x4], $0x80, s1, s8, $0xb8;
	[tilespmem:$0x1C180] =	vst v63  }
0x8a: {  	_ =	swait.ge [sflag:s9], $0x4000  }
0x8b: {  	[sflag:s9] =	ssyncset.done $0x0  }
0x8c: {  	[sflag:s9] =	ssyncadd.s32 $0xFFFFC000  }
0x8d: {  	_ =	swait.ge [sflag:s22], $0x4000  }
0x8e: {  	[sflag:s22] =	ssyncset.done $0x0  }
0x8f: {  	[sflag:s22] =	ssyncadd.s32 $0xFFFFC000  }
0x90: {  	[tilespmem:s23], [sflag:$0x4] =	stream.linear.gather [hbm4b:s11+s3], $0x80, $0x38;
	[tilespmem:$0x1C180] =	vst v63  }
0x91: {  	_ =	swait.ge [sflag:s24], $0x80  }
0x92: {  	[sflag:s24] =	ssyncset.done $0x0  }
0x93: {  	[sflag:s24] =	ssyncadd.s32 $0xFFFFFF80  }
0x94: {  	[spmem:s2] =	stream.indirect.scatter.add.f32 [tilespmem:s21], [sflag:$0x4], $0x80, s23, s20, $0xb8;
	[tilespmem:$0x1C180] =	vst v63  }
0x95: {  	_ =	swait.ge [sflag:s24], $0x4000  }
0x96: {  	[sflag:s24] =	ssyncset.done $0x0  }
0x97: {  	[sflag:s24] =	ssyncadd.s32 $0xFFFFC000  }
0x98: {  	[bflag:$0x0] =	sbarrier.arrive $0xFFFF  }
0x99: {  	s30 =	rddreg [dreg:$0x4]  }
0x9a: {  	[hbm:s30], [sflag:s7] =	dma.local [spmem:s14], $0x2800  }
0x9b: {  	_ =	swait.ge [sflag:s15], $0x2800  }
0x9c: {  	s25 =	sadd.s32 $0x1, s25;
	s31 =	rddreg [dreg:$0x5]  }
0x9d: {  	p0 =	sne.s32 s25, s31  }
.Ltmp1:
0x9e: {  	_ = 	snop;
	(pc) =	sbr.rel @p0 .LBB2_1-.Ltmp1, $3  }
0x9f: {  	_ =	sdelay $0x1  }
0xa0: {  	[sflag:s15] =	ssyncset.done $0x0  }
0xa1: {  	[sflag:s15] =	ssyncadd.s32 $0xFFFFD800  }
0xa2: {  	_ =	sfence.sel $0x180000  }
0xa3: {  	[bflag:$0x0] =	sbarrier.arrive $0xFFFF  }
0xa4: {  	_ =	strace $0x9000004D  }
0xa5: {  	s0 =	stileid.u32;
	[bflag:$0x2] =	sbarrier.arrive $0xFFFF  }
0xa6: {  	p0 =	sne.s32 s0, $0x0;
	s0 =	rddreg [dreg:$0x2]  }
0xa7: {  	s0 =	sadd.s32 @!p0 $0x100000, s0  }
0xa8: {  	[sflag:s0] =	ssyncadd.tile.s32 @!p0 $0x1;
	_ =	shalt  }
.Lfunc_end2:
_tile_overlayer_lowered:
.L_overlay_start_2:
0xa9: {  	(tag) =	ssettag $0x2  }
0xaa: {  	s0 =	rddreg [dreg:$0x0];
	s2 =	stileid.u32  }
0xab: {  	s1 =	rddreg [dreg:$0x1];
	p0 =	sne.s32 s2, $0x0  }
0xac: {  	s3 =	rddreg [dreg:$0x2];
	[bflag:$0x3] =	sbarrier.arrive $0xFFFF;
	s2 =	simm.s32 @!p0 $0x1C03  }
0xad: {  	[timem:s3], [sflag:s2] =	dma.local @!p0 [hbm:s0], s1  }
0xae: {  	s0 =	simm.s32 @!p0 $0x3  }
0xaf: {  	_ =	swait.ge @!p0 [sflag:s0], s1  }
0xb0: {  	s1 =	ssub.s32 @!p0 $0x0, s1;
	[sflag:s0] =	ssyncset.done @!p0 $0x0  }
0xb1: {  	[sflag:s0] =	ssyncadd.s32 @!p0 s1  }
0xb2: {  	[bflag:$0x3] =	sbarrier.arrive $0xFFFF  }
0xb3: {  	_ =	shalt  }

// kernel: kernel.8.cloned.1.call-start
scs
__scs_entry_jumppad:
0x0: {  	(pc) =	sbr.rel $0x88, $3  }
0x1: {  	(tag) =	ssettag $0x0;
	lr =	simm.s32 $0x1  }
0x2: {  	[smem:$0x3F98] =	sst lr;
	_ =	strace $0xD0000000  }
0x3: {  	_ = 	snop  }
0x4: {  	_ = 	snop  }
0x5: {  	_ = 	snop  }
0x6: {  	_ = 	snop  }
0x7: {  	_ = 	snop  }
__scs_overlays_trampoline_lowered:
0x8: {  	[smem:$0x3FA7] =	sst s0  }
0x9: {  	[smem:$0x3FA8] =	sst s1  }
0xa: {  	[smem:$0x3FA9] =	sst s2  }
0xb: {  	[smem:$0x3FAA] =	sst s3  }
0xc: {  	[smem:$0x3FAB] =	sst s4  }
0xd: {  	[smem:$0x3FAC] =	sst s5  }
0xe: {  	[smem:$0x3FAD] =	sst s6  }
0xf: {  	[smem:$0x3FAE] =	sst s7  }
0x10: {  	[smem:$0x3FAF] =	sst s8  }
0x11: {  	[smem:$0x3FB0] =	sst s9;
	s0 =	simm.s32 @!p0 $0x0  }
0x12: {  	s1 =	sld [smem:$0x3F96];
	s0 =	simm.s32 @p0 $0x1  }
0x13: {  	[smem:$0x3FB1] =	sst s0;
	s0 =	simm.s32 @!p1 $0x0  }
0x14: {  	s2 =	sld [smem:$0x3F95];
	s0 =	simm.s32 @p1 $0x1  }
0x15: {  	[smem:$0x3FB2] =	sst s0;
	s0 =	simm.s32 @!p2 $0x0  }
0x16: {  	s3 =	sld [smem:$0x3FDB];
	s0 =	simm.s32 @p2 $0x1  }
0x17: {  	s4 =	simm.s32 $0x1BF5;
	[smem:$0x3FB4] =	sst s0  }
0x18: {  	s0 =	sld [smem:$0x3F97];
	_ =	swait.ge [sflag:s4], $0x0  }
0x19: {  	s7 =	sld [smem:$0x3F98]  }
0x1a: {  	s8 =	sadd.s32 $0xFFFFE003, lr  }
0x1b: {  	s9 =	sadd.s32 $0xFFFFFEF7, lr;
	s5 =	simm.s32 $0xFFFFFFFF;
	p2 =	slt.u32 s8, $0xFFFFF086  }
0x1c: {  	p1 =	slt.u32 s9, $0xF7A;
	s5 =	simm.s32 @!p2 $0x0  }
0x1d: {  	s5 =	simm.s32 @p1 $0x1;
	p0 =	seq.s32 s7, s2  }
0x1e: {  	s7 =	smul.u32 @!p0 $0xF7A, s2;
	p2 =	seq.s32 @!p0 s5, $0x0  }
0x1f: {  	s9 =	smul.u32 $0xF7A, s1;
	s8 =	simm.s32 @!p0 $0x1BF5;
	p2 =	por !p2, p0  }
0x20: {  	[sflag:s8] =	ssyncset.s32 @!p0 $0xFFFFF086;
	s6 =	sadd.s32 @!p0 s3, s7;
	s7 =	simm.s32 @!p0 $0x108  }
0x21: {  	s3 =	sadd.s32 s3, s9;
	s6 =	sadd.s32 @!p0 $0x88, s6;
	s7 =	simm.s32 @p2 $0x1082  }
0x22: {  	[simem:s7], [sflag:s8] =	dma.local @!p0 [hbm:s6], $0xF7A  }
0x23: {  	s9 =	sor.u32 $0xD0000000, s2;
	s6 =	simm.s32 $0x108;
	_ =	swait.ge @!p0 [sflag:s8], $0x0  }
0x24: {  	s3 =	sadd.s32 $0x88, s3;
	s6 =	simm.s32 @!p1 $0x1082;
	[sflag:s4] =	ssyncset.s32 $0xFFFFF086  }
0x25: {  	[simem:s6], [sflag:s4] =	dma.local [hbm:s3], $0xF7A  }
0x26: {  	[smem:$0x3F98] =	sst s1;
	(tag) =	ssettag s2;
	_ =	strace s9  }
0x27: {  	s1 =	sld [smem:$0x3FA8]  }
0x28: {  	s2 =	sld [smem:$0x3FA9]  }
0x29: {  	s4 =	sld [smem:$0x3FAB]  }
0x2a: {  	p0 =	seq.s32 s5, $0x0;
	s5 =	sld [smem:$0x3FAC]  }
0x2b: {  	s6 =	sld [smem:$0x3FAD]  }
0x2c: {  	s7 =	sld [smem:$0x3FAE]  }
0x2d: {  	s3 =	simm.s32 $0x108;
	s8 =	sld [smem:$0x3FAF]  }
0x2e: {  	s3 =	simm.s32 @!p0 $0x1082;
	s9 =	sld [smem:$0x3FB0]  }
0x2f: {  	lr =	sadd.s32 s0, s3;
	s0 =	sld [smem:$0x3FA7]  }
0x30: {  	s3 =	sld [smem:$0x3FAA]  }
0x31: {  	[smem:$0x3FB3] =	sst s10  }
0x32: {  	s10 =	sld [smem:$0x3FB1];
	_ =	sdelay $0x3  }
0x33: {  	p0 =	seq.s32 s10, $0x1;
	s10 =	sld [smem:$0x3FB3];
	_ =	sdelay $0x3  }
0x34: {  	[smem:$0x3FB3] =	sst s10  }
0x35: {  	s10 =	sld [smem:$0x3FB2];
	_ =	sdelay $0x3  }
0x36: {  	p1 =	seq.s32 s10, $0x1;
	s10 =	sld [smem:$0x3FB3];
	_ =	sdelay $0x3  }
0x37: {  	[smem:$0x3FB3] =	sst s10  }
0x38: {  	s10 =	sld [smem:$0x3FB4]  }
0x39: {  	_ = 	snop;
	(pc) =	sbr.ind lr, $3  }
0x3a: {  	_ = 	snop  }
0x3b: {  	_ = 	snop  }
0x3c: {  	p2 =	seq.s32 s10, $0x1;
	s10 =	sld [smem:$0x3FB3]  }
0x3d: {  	_ =	shalt  }
0x3e: {  	_ =	shalt  }
0x3f: {  	_ =	shalt  }
0x40: {  	_ =	shalt  }
0x41: {  	_ =	shalt  }
0x42: {  	_ =	shalt  }
0x43: {  	_ =	shalt  }
0x44: {  	_ =	shalt  }
0x45: {  	_ =	shalt  }
0x46: {  	_ =	shalt  }
0x47: {  	_ =	shalt  }
0x48: {  	_ =	shalt  }
0x49: {  	_ =	shalt  }
0x4a: {  	_ =	shalt  }
0x4b: {  	_ =	shalt  }
0x4c: {  	_ =	shalt  }
0x4d: {  	_ =	shalt  }
0x4e: {  	_ =	shalt  }
0x4f: {  	_ =	shalt  }
0x50: {  	_ =	shalt  }
0x51: {  	_ =	shalt  }
0x52: {  	_ =	shalt  }
0x53: {  	_ =	shalt  }
0x54: {  	_ =	shalt  }
0x55: {  	_ =	shalt  }
0x56: {  	_ =	shalt  }
0x57: {  	_ =	shalt  }
0x58: {  	_ =	shalt  }
0x59: {  	_ =	shalt  }
0x5a: {  	_ =	shalt  }
0x5b: {  	_ =	shalt  }
0x5c: {  	_ =	shalt  }
0x5d: {  	_ =	shalt  }
0x5e: {  	_ =	shalt  }
0x5f: {  	_ =	shalt  }
0x60: {  	_ =	shalt  }
0x61: {  	_ =	shalt  }
0x62: {  	_ =	shalt  }
0x63: {  	_ =	shalt  }
0x64: {  	_ =	shalt  }
0x65: {  	_ =	shalt  }
0x66: {  	_ =	shalt  }
0x67: {  	_ =	shalt  }
0x68: {  	_ =	shalt  }
0x69: {  	_ =	shalt  }
0x6a: {  	_ =	shalt  }
0x6b: {  	_ =	shalt  }
0x6c: {  	_ =	shalt  }
0x6d: {  	_ =	shalt  }
0x6e: {  	_ =	shalt  }
0x6f: {  	_ =	shalt  }
0x70: {  	_ =	shalt  }
0x71: {  	_ =	shalt  }
0x72: {  	_ =	shalt  }
0x73: {  	_ =	shalt  }
0x74: {  	_ =	shalt  }
0x75: {  	_ =	shalt  }
0x76: {  	_ =	shalt  }
0x77: {  	_ =	shalt  }
0x78: {  	_ =	shalt  }
0x79: {  	_ =	shalt  }
0x7a: {  	_ =	shalt  }
0x7b: {  	_ =	shalt  }
0x7c: {  	_ =	shalt  }
0x7d: {  	_ =	shalt  }
0x7e: {  	_ =	shalt  }
0x7f: {  	_ =	shalt  }
0x80: {  	_ =	shalt  }
0x81: {  	_ =	shalt  }
0x82: {  	_ =	shalt  }
0x83: {  	_ =	shalt  }
0x84: {  	_ =	shalt  }
0x85: {  	_ =	shalt  }
0x86: {  	_ =	shalt  }
0x87: {  	_ =	shalt  }
.Lfunc_end0:
.L_simem_size_0:
called_computation_lowered:
.L_overlay_start_0:
0x88: {  	s2 =	sld [smem:$0x3FD9]  }
0x89: {  	s3 =	sld [smem:$0x3FFE];
	_ =	sdelay $0x1  }
0x8a: {  	s1 =	srdreg.scid  }
0x8b: {  	s0 =	sand.u32 $0x1, s1  }
0x8c: {  	s16 =	sshll.u32 s0, $0xA;
	s2 =	sadd.s32 s3, s2  }
0x8d: {  	s2 =	sadd.s32 s2, s16  }
0x8e: {  	[smem:$0x3FBF] =	sst s2  }
0x8f: {  	_ = 	snop  }
0x90: {  	(tm) =	ssettm $0x1  }
0x91: {  	s17 =	sld [smem:$0x3FFB];
	_ =	sdelay $0x3  }
0x92: {  	_ =	strace s17  }
0x93: {  	s2 =	sld [smem:$0x3FFC];
	_ =	sdelay $0x3  }
0x94: {  	_ =	strace s2  }
0x95: {  	s2 =	sld [smem:$0x3FFD];
	_ =	sdelay $0x3  }
0x96: {  	_ =	strace s2  }
0x97: {  	_ =	strace $0x8FFFFFFF  }
0x98: {  	s18 =	sld [smem:$0x3FDB];
	_ =	sdelay $0x1  }
0x99: {  	s19 =	simm.s32 $_scs_section_size  }
0x9a: {  	s4 =	simm.s32 $_size__tile_overlayer_lowered;
	s5 =	simm.s32 $_tile_overlayer_lowered  }
0x9b: {  	s22 =	simm.s32 $0x1BFF;
	s21 =	sshll.u32 s5, $0x1;
	s2 =	sadd.s32 s19, s18  }
0x9c: {  	s6 =	simm.s32 $0x0;
	s20 =	sshll.u32 s4, $0x1;
	s4 =	sadd.s32 s21, s2  }
0x9d: {  	[timem:s6], [sflag:s22] =	dma.local [hbm:s4], s20  }
0x9e: {  	_ =	swait.ge [sflag:s22], s20  }
0x9f: {  	s3 =	ssub.s32 $0x0, s20;
	[sflag:s22] =	ssyncset.done $0x0  }
0xa0: {  	[sflag:s22] =	ssyncadd.s32 s3;
	_ =	sdelay $0x1  }
0xa1: {  	s23 =	simm.s32 $0x1B8B  }
0xa2: {  	_ =	swait.ge [sflag:s23], $0x1  }
0xa3: {  	[sflag:s23] =	ssyncset.done $0x0  }
0xa4: {  	s25 =	simm.s32 $0x1B8E;
	s24 =	sld [smem:$0x3FFE];
	[sflag:s23] =	ssyncadd.s32 $0xFFFFFFFF  }
0xa5: {  	s26 =	simm.s32 $execute0_lowered;
	[smem:$0x3FD2] =	sst s25  }
0xa6: {  	s4 =	sshll.u32 s26, $0x1;
	_ =	strace $0x80000046;
	[dreg:$0x1] =	wrdreg $0xFFFFFFFF  }
0xa7: {  	s28 =	simm.s32 $_size_execute0_lowered;
	s2 =	sadd.s32 s2, s4;
	[dreg:$0x0] =	wrdreg $0x0  }
0xa8: {  	s4 =	sshll.u32 s28, $0x1;
	[dreg:$0x2] =	wrdreg s2  }
0xa9: {  	[dreg:$0x3] =	wrdreg s4  }
0xaa: {  	[dreg:$0x4] =	wrdreg $0xC0  }
0xab: {  	_ =	task [dreg:s6], $0x5FFFF  }
0xac: {  	[dreg:$0x1] =	wrdreg $0xFFFFFFFF  }
0xad: {  	[dreg:$0x0] =	wrdreg $0x60  }
0xae: {  	[dreg:$0x2] =	wrdreg s24  }
0xaf: {  	[dreg:$0x3] =	wrdreg $0x8800  }
0xb0: {  	[dreg:$0x4] =	wrdreg $0x9  }
0xb1: {  	_ =	task.clear_ibuf [dreg:s6], $0x5FFFF;
	_ =	strace $0x90000046  }
0xb2: {  	s29 =	simm.s32 $0x9;
	_ =	strace $0x80000048  }
0xb3: {  	_ =	swait.ge [sflag:s29], $0x1  }
0xb4: {  	[sflag:s29] =	ssyncadd.s32 $0xFFFFFFFF  }
0xb5: {  	_ =	strace $0x90000048  }
0xb6: {  	_ =	sfence  }
0xb7: {  	s30 =	sld [smem:$0x0];
	_ =	sdelay $0x2  }
0xb8: {  	s31 =	sshll.u32 s1, $0xD;
	s1 =	sshrl.u32 s1, $0x2  }
0xb9: {  	s3 =	sand.u32 $0x4000, s31;
	s1 =	sadd.s32 s1, s30  }
0xba: {  	s0 =	sor.u32 s3, s0;
	s1 =	sshll.u32 s1, $0x11  }
0xbb: {  	s0 =	sor.u32 s1, s0  }
0xbc: {  	s0 =	sadd.s32 $0x8F2B, s0  }
0xbd: {  	[sflag:s0] =	ssyncadd.remote.s32 $0x1  }
0xbe: {  	_ =	sfence.sel $0xFFFF  }
0xbf: {  	[dreg:$0x0] =	wrdreg $0xFFFFFFFF;
	(pc) =	sbr.abs _section_cstart, $3  }
0xc0: {  	[dreg:$0x1] =	wrdreg $0xFFFFFFFF  }
0xc1: {  	_ =	task.clear_ibuf [dreg:s6], $0x2FFFF;
	_ =	strace $0x9FFFFFFF  }
0xc2: {  	(tm) =	ssettm $0x7FFFFFFF  }
0xc3: {  	_ =	shalt  }
tec
execute0_lowered:
.L_overlay_start_1:
0x0: {  	(tag) =	ssettag $0x1  }
0x1: {  	s0 =	srdreg.scid  }
0x2: {  	s6 =	rddreg [dreg:$0x0];
	s5 =	sand.u32 $0x1, s0  }
0x3: {  	s0 =	stileid.u32;
	s4 =	smul.u32 $0x27800, s5  }
0x4: {  	s2 =	rddreg [dreg:$0x1];
	s7 =	smul.u32 $0x2780, s0  }
0x5: {  	s1 =	rddreg [dreg:$0x2];
	s3 =	simm.s32 $0x0;
	s29 =	smul.u32 $0x2800, s0  }
0x6: {  	s13 =	simm.s32 $0x0;
	[smem:$0x7FF] =	sst s3;
	s8 =	smul.u32 $0x28000, s5  }
0x7: {  	_ =	strace $0x80000047;
	s10 =	ssub.s32 $0x2, s5;
	s5 =	sadd.s32 $0xD600, s6  }
0x8: {  	s31 =	sshll.u32 s0, $0x6;
	s11 =	sshrl.u32 s10, $0x1;
	s4 =	sadd.s32 s7, s4  }
0x9: {  	s8 =	sadd.s32 s29, s8;
	s30 =	ssub.s32 s10, s11;
	s12 =	sadd.s32 s29, s2  }
0xa: {  	s10 =	simm.s32 $0x1;
	s11 =	sor.u32 $0x1C01, s31;
	s4 =	sshrl.u32 s4, $0x3  }
0xb: {  	s8 =	sshrl.u32 s8, $0x3;
	s7 =	smax.u32 s30, $0x1;
	s12 =	sshrl.u32 s12, $0x3  }
0xc: {  	s9 =	sadd.s32 s4, s6;
	s4 =	sadd.s32 $0xDC00, s6;
	s6 =	sadd.s32 s8, s6  }
0xd: {  	s6 =	sadd.s32 $0xDE00, s6;
	s8 =	sadd.s32 $0x3800, s9;
	s9 =	simm.s32 $0x80  }
.LBB2_1:
0xe: {  	[tilespmem:s9], [sflag:$0x1] =	stream.linear.gather [hbm4b:s4+s3], $0x800, $0x38;
	[tilespmem:$0x3080] =	vst v63  }
0xf: {  	_ =	swait.ge [sflag:s10], $0x800  }
0x10: {  	[sflag:s10] =	ssyncset.done $0x0  }
0x11: {  	[sflag:s10] =	ssyncadd.s32 $0xFFFFF800  }
0x12: {  	[spmem:s12], [sflag:s11] =	dma.local [hbm:s5], $0x500  }
0x13: {  	_ =	swait.ge [sflag:s10], $0x500  }
0x14: {  	[sflag:s10] =	ssyncset.done $0x0  }
0x15: {  	[sflag:s10] =	ssyncadd.s32 $0xFFFFFB00  }
0x16: {  	s14 =	sadd.s32 $0x0, s8;
	[bflag:$0x0] =	sbarrier.arrive $0xFFFF  }
0x17: {  	[tilespmem:s3], [sflag:$0x1] =	stream.linear.gather [hbm4b:s14+s3], $0x80, $0x38;
	[tilespmem:$0x3080] =	vst v63  }
0x18: {  	_ =	swait.ge [sflag:s10], $0x80  }
0x19: {  	[sflag:s10] =	ssyncset.done $0x0  }
0x1a: {  	[sflag:s10] =	ssyncadd.s32 $0xFFFFFF80  }
0x1b: {  	[spmem:s2] =	stream.indirect.scatter.add.f32 [tilespmem:s9], [sflag:$0x1], $0x10, s3, s9, $0xb8;
	[tilespmem:$0x3080] =	vst v63  }
0x1c: {  	_ =	swait.ge [sflag:s10], $0x800  }
0x1d: {  	s15 =	simm.s32 $0x20;
	s14 =	simm.s32 $0x10;
	[sflag:s10] =	ssyncset.done $0x0  }
.LBB2_2:
0x1e: {  	s16 =	sadd.s32 s14, s8  }
0x1f: {  	[sflag:s10] =	ssyncadd.s32 $0xFFFFF800;
	s14 =	smov.u32 s15;
	s17 =	sadd.s32 $0x10, s15  }
0x20: {  	[tilespmem:s3], [sflag:$0x1] =	stream.linear.gather [hbm4b:s16+s3], $0x80, $0x38;
	[tilespmem:$0x3080] =	vst v63  }
0x21: {  	p0 =	sne.s32 s15, $0x4E0;
	_ =	swait.ge [sflag:s10], $0x80  }
.Ltmp0:
0x22: {  	[sflag:s10] =	ssyncset.done $0x0;
	(pc) =	sbr.rel @p0 .LBB2_2-.Ltmp0, $4  }
0x23: {  	[sflag:s10] =	ssyncadd.s32 $0xFFFFFF80  }
0x24: {  	[spmem:s2] =	stream.indirect.scatter.add.f32 [tilespmem:s9], [sflag:$0x1], $0x10, s3, s9, $0xb8;
	[tilespmem:$0x3080] =	vst v63  }
0x25: {  	_ =	swait.ge [sflag:s10], $0x800  }
0x26: {  	s15 =	smov.u32 s17;
	[sflag:s10] =	ssyncset.done $0x0  }
0x27: {  	s14 =	sadd.s32 s14, s8;
	[sflag:s10] =	ssyncadd.s32 $0xFFFFF800  }
0x28: {  	[tilespmem:s3], [sflag:$0x1] =	stream.linear.gather [hbm4b:s14+s3], $0x80, $0x38;
	[tilespmem:$0x3080] =	vst v63  }
0x29: {  	_ =	swait.ge [sflag:s10], $0x80  }
0x2a: {  	[sflag:s10] =	ssyncset.done $0x0  }
0x2b: {  	[sflag:s10] =	ssyncadd.s32 $0xFFFFFF80  }
0x2c: {  	[spmem:s2] =	stream.indirect.scatter.add.f32 [tilespmem:s9], [sflag:$0x1], $0x10, s3, s9, $0xb8;
	[tilespmem:$0x3080] =	vst v63  }
0x2d: {  	_ =	swait.ge [sflag:s10], $0x800  }
0x2e: {  	s13 =	sadd.s32 $0x1, s13;
	[sflag:s10] =	ssyncset.done $0x0  }
0x2f: {  	p0 =	sne.s32 s13, s7;
	[sflag:s10] =	ssyncadd.s32 $0xFFFFF800  }
.Ltmp1:
0x30: {  	[bflag:$0x0] =	sbarrier.arrive $0xFFFF;
	(pc) =	sbr.rel @p0 .LBB2_1-.Ltmp1, $4  }
0x31: {  	[hbm:s6], [sflag:s11] =	dma.local [spmem:s12], $0x500  }
0x32: {  	_ =	swait.ge [sflag:s10], $0x500  }
0x33: {  	[sflag:s10] =	ssyncset.done $0x0  }
0x34: {  	[sflag:s10] =	ssyncadd.s32 $0xFFFFFB00  }
0x35: {  	_ =	sfence.sel $0x180000  }
0x36: {  	[bflag:$0x0] =	sbarrier.arrive $0xFFFF  }
0x37: {  	p0 =	sne.s32 s0, $0x0;
	_ =	strace $0x90000047  }
0x38: {  	s0 =	sadd.s32 @!p0 $0x100000, s1;
	[bflag:$0x2] =	sbarrier.arrive $0xFFFF  }
0x39: {  	[sflag:s0] =	ssyncadd.tile.s32 @!p0 $0x1;
	_ =	shalt  }
.Lfunc_end2:
_tile_overlayer_lowered:
.L_overlay_start_2:
0x3a: {  	(tag) =	ssettag $0x2  }
0x3b: {  	s0 =	rddreg [dreg:$0x0];
	s2 =	stileid.u32  }
0x3c: {  	s1 =	rddreg [dreg:$0x1];
	p0 =	sne.s32 s2, $0x0  }
0x3d: {  	s3 =	rddreg [dreg:$0x2];
	[bflag:$0x3] =	sbarrier.arrive $0xFFFF;
	s2 =	simm.s32 @!p0 $0x1C01  }
0x3e: {  	[timem:s3], [sflag:s2] =	dma.local @!p0 [hbm:s0], s1  }
0x3f: {  	s0 =	simm.s32 @!p0 $0x1  }
0x40: {  	_ =	swait.ge @!p0 [sflag:s0], s1  }
0x41: {  	s1 =	ssub.s32 @!p0 $0x0, s1;
	[sflag:s0] =	ssyncset.done @!p0 $0x0  }
0x42: {  	[sflag:s0] =	ssyncadd.s32 @!p0 s1  }
0x43: {  	[bflag:$0x3] =	sbarrier.arrive $0xFFFF  }
0x44: {  	_ =	shalt  }

</sc_bundles>
